<compile_context>
chip_gen: v7x
topology: tpu7x:2x2x1
jax: 0.10.2.dev20260603
libtpu: 0.0.44.dev20260713+nightly
codegen_flags: <defaults>
</compile_context>

<pallas_src>
import functools
import math

import jax
import jax.numpy as jnp
from jax import lax
from jax.experimental import pallas as pl
from jax.experimental.pallas import tpu as pltpu
from jax.experimental.pallas import tpu_sc as plsc

_EMBED = 64
_HALF = 32
_BATCH = 16384
_HALFB = _BATCH // 2
_NSTATES = 3
_LUT_ROWS = 32
_PLUT_ROWS = 736

_NC = 2
_NS = 16
_NW = _NC * _NS
_PPW = _HALFB // _NW


def _lut_body(st_ref, sub_ref, w1_ref, b1_ref, w2_ref, b2_ref, plut_ref):
    t = lax.broadcasted_iota(jnp.int32, (_LUT_ROWS, 1), 0)
    a = t // 9
    b = (t // 3) % 3
    c = t % 3

    st = st_ref[...]
    sub = sub_ref[...]

    pooled_state = jnp.zeros((_LUT_ROWS, _HALF), jnp.float32)
    for k in range(_NSTATES):
        cnt = ((a == k).astype(jnp.float32)
               + (b == k).astype(jnp.float32)
               + (c == k).astype(jnp.float32))
        pooled_state = pooled_state + cnt * st[k : k + 1, :]
    pooled_state = pooled_state / 3.0

    sub_mean = (sub[0:1, :] + sub[1:2, :] + sub[2:3, :]) / 3.0
    pooled = jnp.concatenate(
        [pooled_state, jnp.broadcast_to(sub_mean, (_LUT_ROWS, _HALF))], axis=1
    )

    mean_idx = (a + b + c).astype(jnp.float32) / 3.0
    phase = (2.0 * math.pi / _NSTATES) * mean_idx
    p = lax.broadcasted_iota(jnp.int32, (1, _EMBED), 1)
    even_base = (p - p % 2).astype(jnp.float32)
    freq = jnp.exp(even_base * (-(math.log(10000.0) / _EMBED)))
    angles = phase * freq
    pe = jnp.where(p % 2 == 0, jnp.sin(angles), jnp.cos(angles))

    x = jnp.concatenate([pooled, pe], axis=1)

    h = jnp.dot(x, w1_ref[...], preferred_element_type=jnp.float32) + b1_ref[...]
    h = 0.5 * h * (1.0 + lax.erf(h / math.sqrt(2.0)))
    out = jnp.dot(h, w2_ref[...], preferred_element_type=jnp.float32) + b2_ref[...]

    norm = jnp.sqrt(jnp.sum(out * out, axis=1, keepdims=True))
    factor = jnp.minimum(jnp.ones_like(norm), 0.95 / (norm + 1e-8))
    lut = out * factor

    tp = lax.broadcasted_iota(jnp.int32, (_PLUT_ROWS, 1), 0)
    k = lax.broadcasted_iota(jnp.int32, (1, _LUT_ROWS), 1)
    oh_hi = (tp // 27 == k).astype(jnp.float32)
    oh_lo = (tp % 27 == k).astype(jnp.float32)
    left = jnp.dot(oh_hi, lut, preferred_element_type=jnp.float32,
                   precision=lax.Precision.HIGHEST)
    right = jnp.dot(oh_lo, lut, preferred_element_type=jnp.float32,
                    precision=lax.Precision.HIGHEST)
    plut_ref[...] = jnp.concatenate([left, right], axis=1)


def _sc_gather_body(
    plut_hbm, idx_hbm, out_hbm, tri_v, keys_v, rows_v, sem, gsem0, gsem1
):
    wid = lax.axis_index("s") * _NC + lax.axis_index("c")
    base = wid * _PPW

    idx_copies = []
    for col in range(3):
        for h in range(2):
            idx_copies.append(
                pltpu.async_copy(
                    idx_hbm.at[pl.ds(col * _BATCH + h * _HALFB + base, _PPW)],
                    tri_v.at[pl.ds((col * 2 + h) * _PPW, _PPW)],
                    sem,
                )
            )
    for c in idx_copies:
        c.wait()

    def grp(j, carry):
        lo = j * 16
        a0 = tri_v[pl.ds(lo, 16)]
        a1 = tri_v[pl.ds(_PPW + lo, 16)]
        b0 = tri_v[pl.ds(2 * _PPW + lo, 16)]
        b1 = tri_v[pl.ds(3 * _PPW + lo, 16)]
        c0 = tri_v[pl.ds(4 * _PPW + lo, 16)]
        c1 = tri_v[pl.ds(5 * _PPW + lo, 16)]
        keys_v[pl.ds(lo, 16)] = (
            (a0 * 9 + b0 * 3 + c0) * 27 + a1 * 9 + b1 * 3 + c1
        )
        return carry

    half_p = _PPW // 2
    lax.fori_loop(0, _PPW // 32, grp, 0)
    g0 = pltpu.async_copy(
        plut_hbm.at[keys_v.at[pl.ds(0, half_p)]],
        rows_v.at[pl.ds(0, half_p)],
        gsem0,
    )
    lax.fori_loop(_PPW // 32, _PPW // 16, grp, 0)
    g1 = pltpu.async_copy(
        plut_hbm.at[keys_v.at[pl.ds(half_p, half_p)]],
        rows_v.at[pl.ds(half_p, half_p)],
        gsem1,
    )
    g0.wait()
    w0 = pltpu.async_copy(
        rows_v.at[pl.ds(0, half_p)], out_hbm.at[pl.ds(base, half_p)], sem
    )
    g1.wait()
    w1 = pltpu.async_copy(
        rows_v.at[pl.ds(half_p, half_p)],
        out_hbm.at[pl.ds(base + half_p, half_p)],
        gsem0,
    )
    w0.wait()
    w1.wait()


@functools.lru_cache(maxsize=1)
def _make_sc_gather():
    return pl.kernel(
        _sc_gather_body,
        out_type=jax.ShapeDtypeStruct((_HALFB, 2 * _EMBED), jnp.float32),
        scratch_types=[
            pltpu.VMEM((_PPW * 6,), jnp.int32),
            pltpu.VMEM((_PPW,), jnp.int32),
            pltpu.VMEM((_PPW, 2 * _EMBED), jnp.float32),
            pltpu.SemaphoreType.DMA,
            pltpu.SemaphoreType.DMA,
            pltpu.SemaphoreType.DMA,
        ],
        mesh=plsc.VectorSubcoreMesh(core_axis_name="c", subcore_axis_name="s"),
        compiler_params=pltpu.CompilerParams(use_tc_tiling_on_sc=False),
    )


def _repack_body(pairs_ref, out_ref):
    h = pl.program_id(1)

    @pl.when(h == 0)
    def _left():
        out_ref[...] = pairs_ref[...][:, : _EMBED].T

    @pl.when(h == 1)
    def _right():
        out_ref[...] = pairs_ref[...][:, _EMBED :].T


def _repack(pairs):
    nblk = 2
    blk = _HALFB // nblk
    return pl.pallas_call(
        _repack_body,
        grid=(nblk, 2),
        in_specs=[pl.BlockSpec((blk, 2 * _EMBED), lambda k, h: (k, 0))],
        out_specs=pl.BlockSpec((_EMBED, blk), lambda k, h: (0, h * nblk + k)),
        out_shape=jax.ShapeDtypeStruct((_EMBED, _BATCH), jnp.float32),
    )(pairs)


def kernel(state_indices, state_table, subunit_table, W1, b1, W2, b2):
    plut = pl.pallas_call(
        _lut_body,
        out_shape=jax.ShapeDtypeStruct((_PLUT_ROWS, 2 * _EMBED), jnp.float32),
    )(state_table, subunit_table, W1, b1, W2, b2)
    flat_idx = state_indices.T.reshape(-1).astype(jnp.int32)
    pairs = _make_sc_gather()(plut, flat_idx)
    return _repack(pairs).T

# --- scband reference (transcript-rebuilt; emitter-appended) ---
"""Pipeline reference for scband-ternary-motor-encoder-70497593196928 (READ-ONLY COPY).

The authoritative reference and input builder live on the scoring server;
editing this copy changes nothing except your own understanding.
"""

import math
import jax, jax.numpy as jnp
import numpy as np

EMBED_DIM = 64
N_SUBUNITS = 3
N_STATES = 3
CURVATURE = 1.0
MAX_NORM = 0.95
BATCH = 16384


def setup_inputs(seed: int = 0) -> dict:
    key = jax.random.key(seed)
    k1, k2, k3, k4, k5 = jax.random.split(key, 5)
    state_indices = jax.random.randint(k1, (BATCH, N_SUBUNITS), 0, N_STATES)
    half = EMBED_DIM // 2
    state_table = jax.random.normal(k2, (N_STATES, half), dtype=jnp.float32) * 0.02
    subunit_table = jax.random.normal(k3, (N_SUBUNITS, half), dtype=jnp.float32) * 0.02
    # torch Linear weights stored as [in, out] so forward is x @ W + b
    W1 = jax.random.normal(k4, (2 * EMBED_DIM, EMBED_DIM), dtype=jnp.float32) * 0.05
    b1 = jnp.zeros((EMBED_DIM,), dtype=jnp.float32)
    W2 = jax.random.normal(k5, (EMBED_DIM, EMBED_DIM), dtype=jnp.float32) * 0.05
    b2 = jnp.zeros((EMBED_DIM,), dtype=jnp.float32)
    return {
        "state_indices": state_indices,
        "state_table": state_table,
        "subunit_table": subunit_table,
        "W1": W1,
        "b1": b1,
        "W2": W2,
        "b2": b2,
    }


def _rotary_encode(phase):
    # phase: (B,), returns (B, EMBED_DIM) with interleaved sin/cos
    freqs = jnp.exp(
        jnp.arange(0, EMBED_DIM, 2, dtype=jnp.float32)
        * (-(math.log(10000.0) / EMBED_DIM))
    )
    angles = phase[:, None] * freqs[None, :]  # (B, EMBED_DIM//2)
    pe = jnp.stack([jnp.sin(angles), jnp.cos(angles)], axis=-1).reshape(
        phase.shape[0], EMBED_DIM
    )
    return pe


def _project_to_poincare(x, c, max_norm):
    norm = jnp.linalg.norm(x, axis=-1, keepdims=True)
    maxn = max_norm / math.sqrt(c)
    factor = jnp.minimum(jnp.ones_like(norm), maxn / (norm + 1e-8))
    return x * factor


def reference(state_indices, state_table, subunit_table, W1, b1, W2, b2):
    B, S = state_indices.shape
    # embedding lookups (gather)
    state_emb = jnp.take(state_table, state_indices, axis=0)  # (B, S, half)
    sub_idx = jnp.arange(S) % N_SUBUNITS
    subunit_emb = jnp.take(subunit_table, sub_idx, axis=0)  # (S, half)
    subunit_emb = jnp.broadcast_to(
        subunit_emb[None, :, :], (B, S, subunit_emb.shape[-1])
    )
    combined = jnp.concatenate([state_emb, subunit_emb], axis=-1)  # (B, S, EMBED_DIM)
    pooled = combined.mean(axis=1)  # (B, EMBED_DIM)
    # phase is None path: derive phase from mean state index
    mean_phase = (
        2.0 * math.pi * state_indices.astype(jnp.float32).mean(axis=-1) / N_STATES
    )
    phase_emb = _rotary_encode(mean_phase)  # (B, EMBED_DIM)
    pooled = jnp.concatenate([pooled, phase_emb], axis=-1)  # (B, 2*EMBED_DIM)
    h = jax.nn.gelu(pooled @ W1 + b1, approximate=False)
    out = h @ W2 + b2
    out = _project_to_poincare(out, CURVATURE, MAX_NORM)
    return out

if __name__ == "__main__":
    import jax
    _d = setup_inputs()
    print(jax.jit(kernel)(*tuple(_d.values())))

</pallas_src>

<mosaic_0001>
#map = affine_map<(d0, d1) -> (0, 0)>
#map1 = affine_map<(d0, d1) -> (0)>
module attributes {stable_mosaic.version = 14 : i64} {
  func.func @_sc_gather_body(%arg0: i32, %arg1: i32, %arg2: memref<736x128xf32, #tpu.memory_space<hbm>>, %arg3: memref<49152xi32, #tpu.memory_space<hbm>>, %arg4: memref<8192x128xf32, #tpu.memory_space<hbm>>, %arg5: memref<1536xi32, #tpu.memory_space<vmem>>, %arg6: memref<256xi32, #tpu.memory_space<vmem>>, %arg7: memref<256x128xf32, #tpu.memory_space<vmem>>, %arg8: memref<!tpu.dma_semaphore, #tpu.memory_space<semaphore_mem>>, %arg9: memref<!tpu.dma_semaphore, #tpu.memory_space<semaphore_mem>>, %arg10: memref<!tpu.dma_semaphore, #tpu.memory_space<semaphore_mem>>) attributes {dimension_semantics = [#tpu.dimension_semantics<core_parallel>, #tpu.dimension_semantics<subcore_parallel>], iteration_bounds = array<i64: 2, 16>, scalar_prefetch = 0 : i64, scratch_operands = 6 : i64, tpu.core_type = #tpu.core_type<sc_vector_subcore>, window_params = [{transform_indices = #map}, {transform_indices = #map1}, {transform_indices = #map}]} {
    %mul3A = arith.constant 2 : i32
    %mul3A_0 = arith.muli %arg1, %mul3A : i32
    %add3A = arith.addi %mul3A_0, %arg0 : i32
    %mul3A_1 = arith.constant 256 : i32
    %mul3A_2 = arith.muli %add3A, %mul3A_1 : i32
    %add3A_3 = arith.constant 0 : i32
    %add3A_4 = arith.addi %add3A_3, %mul3A_2 : i32
    %dma_start3A = arith.constant 0 : i32
    %dma_start3A_5 = tpu.memref_slice %arg5[%dma_start3A] : memref<1536xi32, #tpu.memory_space<vmem>> -> memref<256xi32, #tpu.memory_space<vmem>>
    %dma_start3A_6 = tpu.memref_slice %arg3[%add3A_4] : memref<49152xi32, #tpu.memory_space<hbm>> -> memref<256xi32, #tpu.memory_space<hbm>>
    %dma_start3A_7 = arith.constant 0 : i32
    %dma_start3A_8 = tpu.memref_slice %arg5[%dma_start3A_7] : memref<1536xi32, #tpu.memory_space<vmem>> -> memref<256xi32, #tpu.memory_space<vmem>>
    %dma_start3A_9 = tpu.memref_slice %arg3[%add3A_4] : memref<49152xi32, #tpu.memory_space<hbm>> -> memref<256xi32, #tpu.memory_space<hbm>>
    tpu.enqueue_dma source(%dma_start3A_9 : memref<256xi32, #tpu.memory_space<hbm>>) target(%dma_start3A_8 : memref<256xi32, #tpu.memory_space<vmem>>) target_semaphore(%arg8 : memref<!tpu.dma_semaphore, #tpu.memory_space<semaphore_mem>>)
    %add3A_10 = arith.constant 8192 : i32
    %add3A_11 = arith.addi %add3A_10, %mul3A_2 : i32
    %dma_start3A_12 = arith.constant 256 : i32
    %dma_start3A_13 = tpu.memref_slice %arg5[%dma_start3A_12] : memref<1536xi32, #tpu.memory_space<vmem>> -> memref<256xi32, #tpu.memory_space<vmem>>
    %dma_start3A_14 = tpu.memref_slice %arg3[%add3A_11] : memref<49152xi32, #tpu.memory_space<hbm>> -> memref<256xi32, #tpu.memory_space<hbm>>
    %dma_start3A_15 = arith.constant 256 : i32
    %dma_start3A_16 = tpu.memref_slice %arg5[%dma_start3A_15] : memref<1536xi32, #tpu.memory_space<vmem>> -> memref<256xi32, #tpu.memory_space<vmem>>
    %dma_start3A_17 = tpu.memref_slice %arg3[%add3A_11] : memref<49152xi32, #tpu.memory_space<hbm>> -> memref<256xi32, #tpu.memory_space<hbm>>
    tpu.enqueue_dma source(%dma_start3A_17 : memref<256xi32, #tpu.memory_space<hbm>>) target(%dma_start3A_16 : memref<256xi32, #tpu.memory_space<vmem>>) target_semaphore(%arg8 : memref<!tpu.dma_semaphore, #tpu.memory_space<semaphore_mem>>)
    %add3A_18 = arith.constant 16384 : i32
    %add3A_19 = arith.addi %add3A_18, %mul3A_2 : i32
    %dma_start3A_20 = arith.constant 512 : i32
    %dma_start3A_21 = tpu.memref_slice %arg5[%dma_start3A_20] : memref<1536xi32, #tpu.memory_space<vmem>> -> memref<256xi32, #tpu.memory_space<vmem>>
    %dma_start3A_22 = tpu.memref_slice %arg3[%add3A_19] : memref<49152xi32, #tpu.memory_space<hbm>> -> memref<256xi32, #tpu.memory_space<hbm>>
    %dma_start3A_23 = arith.constant 512 : i32
    %dma_start3A_24 = tpu.memref_slice %arg5[%dma_start3A_23] : memref<1536xi32, #tpu.memory_space<vmem>> -> memref<256xi32, #tpu.memory_space<vmem>>
    %dma_start3A_25 = tpu.memref_slice %arg3[%add3A_19] : memref<49152xi32, #tpu.memory_space<hbm>> -> memref<256xi32, #tpu.memory_space<hbm>>
    tpu.enqueue_dma source(%dma_start3A_25 : memref<256xi32, #tpu.memory_space<hbm>>) target(%dma_start3A_24 : memref<256xi32, #tpu.memory_space<vmem>>) target_semaphore(%arg8 : memref<!tpu.dma_semaphore, #tpu.memory_space<semaphore_mem>>)
    %add3A_26 = arith.constant 24576 : i32
    %add3A_27 = arith.addi %add3A_26, %mul3A_2 : i32
    %dma_start3A_28 = arith.constant 768 : i32
    %dma_start3A_29 = tpu.memref_slice %arg5[%dma_start3A_28] : memref<1536xi32, #tpu.memory_space<vmem>> -> memref<256xi32, #tpu.memory_space<vmem>>
    %dma_start3A_30 = tpu.memref_slice %arg3[%add3A_27] : memref<49152xi32, #tpu.memory_space<hbm>> -> memref<256xi32, #tpu.memory_space<hbm>>
    %dma_start3A_31 = arith.constant 768 : i32
    %dma_start3A_32 = tpu.memref_slice %arg5[%dma_start3A_31] : memref<1536xi32, #tpu.memory_space<vmem>> -> memref<256xi32, #tpu.memory_space<vmem>>
    %dma_start3A_33 = tpu.memref_slice %arg3[%add3A_27] : memref<49152xi32, #tpu.memory_space<hbm>> -> memref<256xi32, #tpu.memory_space<hbm>>
    tpu.enqueue_dma source(%dma_start3A_33 : memref<256xi32, #tpu.memory_space<hbm>>) target(%dma_start3A_32 : memref<256xi32, #tpu.memory_space<vmem>>) target_semaphore(%arg8 : memref<!tpu.dma_semaphore, #tpu.memory_space<semaphore_mem>>)
    %add3A_34 = arith.constant 32768 : i32
    %add3A_35 = arith.addi %add3A_34, %mul3A_2 : i32
    %dma_start3A_36 = arith.constant 1024 : i32
    %dma_start3A_37 = tpu.memref_slice %arg5[%dma_start3A_36] : memref<1536xi32, #tpu.memory_space<vmem>> -> memref<256xi32, #tpu.memory_space<vmem>>
    %dma_start3A_38 = tpu.memref_slice %arg3[%add3A_35] : memref<49152xi32, #tpu.memory_space<hbm>> -> memref<256xi32, #tpu.memory_space<hbm>>
    %dma_start3A_39 = arith.constant 1024 : i32
    %dma_start3A_40 = tpu.memref_slice %arg5[%dma_start3A_39] : memref<1536xi32, #tpu.memory_space<vmem>> -> memref<256xi32, #tpu.memory_space<vmem>>
    %dma_start3A_41 = tpu.memref_slice %arg3[%add3A_35] : memref<49152xi32, #tpu.memory_space<hbm>> -> memref<256xi32, #tpu.memory_space<hbm>>
    tpu.enqueue_dma source(%dma_start3A_41 : memref<256xi32, #tpu.memory_space<hbm>>) target(%dma_start3A_40 : memref<256xi32, #tpu.memory_space<vmem>>) target_semaphore(%arg8 : memref<!tpu.dma_semaphore, #tpu.memory_space<semaphore_mem>>)
    %add3A_42 = arith.constant 40960 : i32
    %add3A_43 = arith.addi %add3A_42, %mul3A_2 : i32
    %dma_start3A_44 = arith.constant 1280 : i32
    %dma_start3A_45 = tpu.memref_slice %arg5[%dma_start3A_44] : memref<1536xi32, #tpu.memory_space<vmem>> -> memref<256xi32, #tpu.memory_space<vmem>>
    %dma_start3A_46 = tpu.memref_slice %arg3[%add3A_43] : memref<49152xi32, #tpu.memory_space<hbm>> -> memref<256xi32, #tpu.memory_space<hbm>>
    %dma_start3A_47 = arith.constant 1280 : i32
    %dma_start3A_48 = tpu.memref_slice %arg5[%dma_start3A_47] : memref<1536xi32, #tpu.memory_space<vmem>> -> memref<256xi32, #tpu.memory_space<vmem>>
    %dma_start3A_49 = tpu.memref_slice %arg3[%add3A_43] : memref<49152xi32, #tpu.memory_space<hbm>> -> memref<256xi32, #tpu.memory_space<hbm>>
    tpu.enqueue_dma source(%dma_start3A_49 : memref<256xi32, #tpu.memory_space<hbm>>) target(%dma_start3A_48 : memref<256xi32, #tpu.memory_space<vmem>>) target_semaphore(%arg8 : memref<!tpu.dma_semaphore, #tpu.memory_space<semaphore_mem>>)
    %dma_wait3A = arith.constant 0 : i32
    %dma_wait3A_50 = tpu.memref_slice %arg5[%dma_wait3A] : memref<1536xi32, #tpu.memory_space<vmem>> -> memref<256xi32, #tpu.memory_space<vmem>>
    %dma_wait3A_51 = tpu.memref_slice %arg3[%add3A_4] : memref<49152xi32, #tpu.memory_space<hbm>> -> memref<256xi32, #tpu.memory_space<hbm>>
    %dma_wait3A_52 = arith.constant 0 : i32
    %dma_wait3A_53 = tpu.memref_slice %arg5[%dma_wait3A_52] : memref<1536xi32, #tpu.memory_space<vmem>> -> memref<256xi32, #tpu.memory_space<vmem>>
    %dma_wait3A_54 = tpu.memref_slice %arg3[%add3A_4] : memref<49152xi32, #tpu.memory_space<hbm>> -> memref<256xi32, #tpu.memory_space<hbm>>
    tpu.wait_dma2 semaphore(%arg8 : memref<!tpu.dma_semaphore, #tpu.memory_space<semaphore_mem>>) src(%dma_wait3A_54 : memref<256xi32, #tpu.memory_space<hbm>>) dst(%dma_wait3A_53 : memref<256xi32, #tpu.memory_space<vmem>>)
    %dma_wait3A_55 = arith.constant 256 : i32
    %dma_wait3A_56 = tpu.memref_slice %arg5[%dma_wait3A_55] : memref<1536xi32, #tpu.memory_space<vmem>> -> memref<256xi32, #tpu.memory_space<vmem>>
    %dma_wait3A_57 = tpu.memref_slice %arg3[%add3A_11] : memref<49152xi32, #tpu.memory_space<hbm>> -> memref<256xi32, #tpu.memory_space<hbm>>
    %dma_wait3A_58 = arith.constant 256 : i32
    %dma_wait3A_59 = tpu.memref_slice %arg5[%dma_wait3A_58] : memref<1536xi32, #tpu.memory_space<vmem>> -> memref<256xi32, #tpu.memory_space<vmem>>
    %dma_wait3A_60 = tpu.memref_slice %arg3[%add3A_11] : memref<49152xi32, #tpu.memory_space<hbm>> -> memref<256xi32, #tpu.memory_space<hbm>>
    tpu.wait_dma2 semaphore(%arg8 : memref<!tpu.dma_semaphore, #tpu.memory_space<semaphore_mem>>) src(%dma_wait3A_60 : memref<256xi32, #tpu.memory_space<hbm>>) dst(%dma_wait3A_59 : memref<256xi32, #tpu.memory_space<vmem>>)
    %dma_wait3A_61 = arith.constant 512 : i32
    %dma_wait3A_62 = tpu.memref_slice %arg5[%dma_wait3A_61] : memref<1536xi32, #tpu.memory_space<vmem>> -> memref<256xi32, #tpu.memory_space<vmem>>
    %dma_wait3A_63 = tpu.memref_slice %arg3[%add3A_19] : memref<49152xi32, #tpu.memory_space<hbm>> -> memref<256xi32, #tpu.memory_space<hbm>>
    %dma_wait3A_64 = arith.constant 512 : i32
    %dma_wait3A_65 = tpu.memref_slice %arg5[%dma_wait3A_64] : memref<1536xi32, #tpu.memory_space<vmem>> -> memref<256xi32, #tpu.memory_space<vmem>>
    %dma_wait3A_66 = tpu.memref_slice %arg3[%add3A_19] : memref<49152xi32, #tpu.memory_space<hbm>> -> memref<256xi32, #tpu.memory_space<hbm>>
    tpu.wait_dma2 semaphore(%arg8 : memref<!tpu.dma_semaphore, #tpu.memory_space<semaphore_mem>>) src(%dma_wait3A_66 : memref<256xi32, #tpu.memory_space<hbm>>) dst(%dma_wait3A_65 : memref<256xi32, #tpu.memory_space<vmem>>)
    %dma_wait3A_67 = arith.constant 768 : i32
    %dma_wait3A_68 = tpu.memref_slice %arg5[%dma_wait3A_67] : memref<1536xi32, #tpu.memory_space<vmem>> -> memref<256xi32, #tpu.memory_space<vmem>>
    %dma_wait3A_69 = tpu.memref_slice %arg3[%add3A_27] : memref<49152xi32, #tpu.memory_space<hbm>> -> memref<256xi32, #tpu.memory_space<hbm>>
    %dma_wait3A_70 = arith.constant 768 : i32
    %dma_wait3A_71 = tpu.memref_slice %arg5[%dma_wait3A_70] : memref<1536xi32, #tpu.memory_space<vmem>> -> memref<256xi32, #tpu.memory_space<vmem>>
    %dma_wait3A_72 = tpu.memref_slice %arg3[%add3A_27] : memref<49152xi32, #tpu.memory_space<hbm>> -> memref<256xi32, #tpu.memory_space<hbm>>
    tpu.wait_dma2 semaphore(%arg8 : memref<!tpu.dma_semaphore, #tpu.memory_space<semaphore_mem>>) src(%dma_wait3A_72 : memref<256xi32, #tpu.memory_space<hbm>>) dst(%dma_wait3A_71 : memref<256xi32, #tpu.memory_space<vmem>>)
    %dma_wait3A_73 = arith.constant 1024 : i32
    %dma_wait3A_74 = tpu.memref_slice %arg5[%dma_wait3A_73] : memref<1536xi32, #tpu.memory_space<vmem>> -> memref<256xi32, #tpu.memory_space<vmem>>
    %dma_wait3A_75 = tpu.memref_slice %arg3[%add3A_35] : memref<49152xi32, #tpu.memory_space<hbm>> -> memref<256xi32, #tpu.memory_space<hbm>>
    %dma_wait3A_76 = arith.constant 1024 : i32
    %dma_wait3A_77 = tpu.memref_slice %arg5[%dma_wait3A_76] : memref<1536xi32, #tpu.memory_space<vmem>> -> memref<256xi32, #tpu.memory_space<vmem>>
    %dma_wait3A_78 = tpu.memref_slice %arg3[%add3A_35] : memref<49152xi32, #tpu.memory_space<hbm>> -> memref<256xi32, #tpu.memory_space<hbm>>
    tpu.wait_dma2 semaphore(%arg8 : memref<!tpu.dma_semaphore, #tpu.memory_space<semaphore_mem>>) src(%dma_wait3A_78 : memref<256xi32, #tpu.memory_space<hbm>>) dst(%dma_wait3A_77 : memref<256xi32, #tpu.memory_space<vmem>>)
    %dma_wait3A_79 = arith.constant 1280 : i32
    %dma_wait3A_80 = tpu.memref_slice %arg5[%dma_wait3A_79] : memref<1536xi32, #tpu.memory_space<vmem>> -> memref<256xi32, #tpu.memory_space<vmem>>
    %dma_wait3A_81 = tpu.memref_slice %arg3[%add3A_43] : memref<49152xi32, #tpu.memory_space<hbm>> -> memref<256xi32, #tpu.memory_space<hbm>>
    %dma_wait3A_82 = arith.constant 1280 : i32
    %dma_wait3A_83 = tpu.memref_slice %arg5[%dma_wait3A_82] : memref<1536xi32, #tpu.memory_space<vmem>> -> memref<256xi32, #tpu.memory_space<vmem>>
    %dma_wait3A_84 = tpu.memref_slice %arg3[%add3A_43] : memref<49152xi32, #tpu.memory_space<hbm>> -> memref<256xi32, #tpu.memory_space<hbm>>
    tpu.wait_dma2 semaphore(%arg8 : memref<!tpu.dma_semaphore, #tpu.memory_space<semaphore_mem>>) src(%dma_wait3A_84 : memref<256xi32, #tpu.memory_space<hbm>>) dst(%dma_wait3A_83 : memref<256xi32, #tpu.memory_space<vmem>>)
    %scan3A = arith.constant 0 : i32
    %scan3A_85 = arith.constant 0 : i32
    %scan3A_86 = arith.constant 8 : i32
    %scan3A_87 = arith.addi %scan3A_85, %scan3A_86 : i32
    %scan3A_88 = arith.constant 1 : i32
    scf.for %scan3A_170 = %scan3A_85 to %scan3A_87 step %scan3A_88  : i32 {
      %mul3A_171 = arith.constant 16 : i32
      %mul3A_172 = arith.muli %scan3A_170, %mul3A_171 : i32
      %get3A = arith.index_cast %mul3A_172 : i32 to index
      %get3A_173 = tpu.vector_load %arg5[%get3A] {strides = array<i32>} : memref<1536xi32, #tpu.memory_space<vmem>>, vector<16xi32>,
      %get3A_174 = vector.shape_cast %get3A_173 : vector<16xi32> to vector<16xi32>
      %add3A_175 = arith.constant 256 : i32
      %add3A_176 = arith.addi %add3A_175, %mul3A_172 : i32
      %get3A_177 = arith.index_cast %add3A_176 : i32 to index
      %get3A_178 = tpu.vector_load %arg5[%get3A_177] {strides = array<i32>} : memref<1536xi32, #tpu.memory_space<vmem>>, vector<16xi32>,
      %get3A_179 = vector.shape_cast %get3A_178 : vector<16xi32> to vector<16xi32>
      %add3A_180 = arith.constant 512 : i32
      %add3A_181 = arith.addi %add3A_180, %mul3A_172 : i32
      %get3A_182 = arith.index_cast %add3A_181 : i32 to index
      %get3A_183 = tpu.vector_load %arg5[%get3A_182] {strides = array<i32>} : memref<1536xi32, #tpu.memory_space<vmem>>, vector<16xi32>,
      %get3A_184 = vector.shape_cast %get3A_183 : vector<16xi32> to vector<16xi32>
      %add3A_185 = arith.constant 768 : i32
      %add3A_186 = arith.addi %add3A_185, %mul3A_172 : i32
      %get3A_187 = arith.index_cast %add3A_186 : i32 to index
      %get3A_188 = tpu.vector_load %arg5[%get3A_187] {strides = array<i32>} : memref<1536xi32, #tpu.memory_space<vmem>>, vector<16xi32>,
      %get3A_189 = vector.shape_cast %get3A_188 : vector<16xi32> to vector<16xi32>
      %add3A_190 = arith.constant 1024 : i32
      %add3A_191 = arith.addi %add3A_190, %mul3A_172 : i32
      %get3A_192 = arith.index_cast %add3A_191 : i32 to index
      %get3A_193 = tpu.vector_load %arg5[%get3A_192] {strides = array<i32>} : memref<1536xi32, #tpu.memory_space<vmem>>, vector<16xi32>,
      %get3A_194 = vector.shape_cast %get3A_193 : vector<16xi32> to vector<16xi32>
      %add3A_195 = arith.constant 1280 : i32
      %add3A_196 = arith.addi %add3A_195, %mul3A_172 : i32
      %get3A_197 = arith.index_cast %add3A_196 : i32 to index
      %get3A_198 = tpu.vector_load %arg5[%get3A_197] {strides = array<i32>} : memref<1536xi32, #tpu.memory_space<vmem>>, vector<16xi32>,
      %get3A_199 = vector.shape_cast %get3A_198 : vector<16xi32> to vector<16xi32>
      %mul3A_200 = arith.constant 9 : i32
      %mul3A_201 = vector.broadcast %mul3A_200 : i32 to vector<16xi32>
      %mul3A_202 = arith.muli %get3A_174, %mul3A_201 : vector<16xi32>
      %mul3A_203 = arith.constant 3 : i32
      %mul3A_204 = vector.broadcast %mul3A_203 : i32 to vector<16xi32>
      %mul3A_205 = arith.muli %get3A_184, %mul3A_204 : vector<16xi32>
      %add3A_206 = arith.addi %mul3A_202, %mul3A_205 : vector<16xi32>
      %add3A_207 = arith.addi %add3A_206, %get3A_194 : vector<16xi32>
      %mul3A_208 = arith.constant 27 : i32
      %mul3A_209 = vector.broadcast %mul3A_208 : i32 to vector<16xi32>
      %mul3A_210 = arith.muli %add3A_207, %mul3A_209 : vector<16xi32>
      %mul3A_211 = arith.constant 9 : i32
      %mul3A_212 = vector.broadcast %mul3A_211 : i32 to vector<16xi32>
      %mul3A_213 = arith.muli %get3A_179, %mul3A_212 : vector<16xi32>
      %add3A_214 = arith.addi %mul3A_210, %mul3A_213 : vector<16xi32>
      %mul3A_215 = arith.constant 3 : i32
      %mul3A_216 = vector.broadcast %mul3A_215 : i32 to vector<16xi32>
      %mul3A_217 = arith.muli %get3A_189, %mul3A_216 : vector<16xi32>
      %add3A_218 = arith.addi %add3A_214, %mul3A_217 : vector<16xi32>
      %add3A_219 = arith.addi %add3A_218, %get3A_199 : vector<16xi32>
      %swap3A = arith.index_cast %mul3A_172 : i32 to index
      %swap3A_220 = tpu.vector_load %arg6[%swap3A] {strides = array<i32>} : memref<256xi32, #tpu.memory_space<vmem>>, vector<16xi32>,
      %swap3A_221 = vector.shape_cast %swap3A_220 : vector<16xi32> to vector<16xi32>
      %swap3A_222 = vector.shape_cast %add3A_219 : vector<16xi32> to vector<16xi32>
      tpu.vector_store %arg6[%swap3A], %swap3A_222 {strides = array<i32>} : memref<256xi32, #tpu.memory_space<vmem>>, vector<16xi32>,
    }
    %scan3A_89 = arith.constant 8 : i32
    %dma_start3A_90 = arith.constant 0 : i32
    %dma_start3A_91 = arith.constant 0 : i32
    %dma_start3A_92 = tpu.memref_slice %arg7[%dma_start3A_90, %dma_start3A_91] : memref<256x128xf32, #tpu.memory_space<vmem>> -> memref<128x128xf32, #tpu.memory_space<vmem>>
    %dma_start3A_93 = arith.constant 0 : i32
    %dma_start3A_94 = tpu.memref_slice %arg6[%dma_start3A_93] : memref<256xi32, #tpu.memory_space<vmem>> -> memref<128xi32, #tpu.memory_space<vmem>>
    %dma_start3A_95 = arith.constant 0 : i32
    %dma_start3A_96 = arith.constant 0 : i32
    %dma_start3A_97 = tpu.memref_slice %arg2[%dma_start3A_95, %dma_start3A_96] : memref<736x128xf32, #tpu.memory_space<hbm>> -> memref<736x128xf32, #tpu.memory_space<hbm>>
    tpu.enqueue_indirect_dma source(%dma_start3A_97 : memref<736x128xf32, #tpu.memory_space<hbm>>) target(%dma_start3A_92 : memref<128x128xf32, #tpu.memory_space<vmem>>) offsets(%dma_start3A_94 : memref<128xi32, #tpu.memory_space<vmem>>) semaphore(%arg9 : memref<!tpu.dma_semaphore, #tpu.memory_space<semaphore_mem>>)
    %scan3A_98 = arith.constant 0 : i32
    %scan3A_99 = arith.constant 8 : i32
    %scan3A_100 = arith.constant 8 : i32
    %scan3A_101 = arith.addi %scan3A_99, %scan3A_100 : i32
    %scan3A_102 = arith.constant 1 : i32
    scf.for %scan3A_170 = %scan3A_99 to %scan3A_101 step %scan3A_102  : i32 {
      %mul3A_171 = arith.constant 16 : i32
      %mul3A_172 = arith.muli %scan3A_170, %mul3A_171 : i32
      %get3A = arith.index_cast %mul3A_172 : i32 to index
      %get3A_173 = tpu.vector_load %arg5[%get3A] {strides = array<i32>} : memref<1536xi32, #tpu.memory_space<vmem>>, vector<16xi32>,
      %get3A_174 = vector.shape_cast %get3A_173 : vector<16xi32> to vector<16xi32>
      %add3A_175 = arith.constant 256 : i32
      %add3A_176 = arith.addi %add3A_175, %mul3A_172 : i32
      %get3A_177 = arith.index_cast %add3A_176 : i32 to index
      %get3A_178 = tpu.vector_load %arg5[%get3A_177] {strides = array<i32>} : memref<1536xi32, #tpu.memory_space<vmem>>, vector<16xi32>,
      %get3A_179 = vector.shape_cast %get3A_178 : vector<16xi32> to vector<16xi32>
      %add3A_180 = arith.constant 512 : i32
      %add3A_181 = arith.addi %add3A_180, %mul3A_172 : i32
      %get3A_182 = arith.index_cast %add3A_181 : i32 to index
      %get3A_183 = tpu.vector_load %arg5[%get3A_182] {strides = array<i32>} : memref<1536xi32, #tpu.memory_space<vmem>>, vector<16xi32>,
      %get3A_184 = vector.shape_cast %get3A_183 : vector<16xi32> to vector<16xi32>
      %add3A_185 = arith.constant 768 : i32
      %add3A_186 = arith.addi %add3A_185, %mul3A_172 : i32
      %get3A_187 = arith.index_cast %add3A_186 : i32 to index
      %get3A_188 = tpu.vector_load %arg5[%get3A_187] {strides = array<i32>} : memref<1536xi32, #tpu.memory_space<vmem>>, vector<16xi32>,
      %get3A_189 = vector.shape_cast %get3A_188 : vector<16xi32> to vector<16xi32>
      %add3A_190 = arith.constant 1024 : i32
      %add3A_191 = arith.addi %add3A_190, %mul3A_172 : i32
      %get3A_192 = arith.index_cast %add3A_191 : i32 to index
      %get3A_193 = tpu.vector_load %arg5[%get3A_192] {strides = array<i32>} : memref<1536xi32, #tpu.memory_space<vmem>>, vector<16xi32>,
      %get3A_194 = vector.shape_cast %get3A_193 : vector<16xi32> to vector<16xi32>
      %add3A_195 = arith.constant 1280 : i32
      %add3A_196 = arith.addi %add3A_195, %mul3A_172 : i32
      %get3A_197 = arith.index_cast %add3A_196 : i32 to index
      %get3A_198 = tpu.vector_load %arg5[%get3A_197] {strides = array<i32>} : memref<1536xi32, #tpu.memory_space<vmem>>, vector<16xi32>,
      %get3A_199 = vector.shape_cast %get3A_198 : vector<16xi32> to vector<16xi32>
      %mul3A_200 = arith.constant 9 : i32
      %mul3A_201 = vector.broadcast %mul3A_200 : i32 to vector<16xi32>
      %mul3A_202 = arith.muli %get3A_174, %mul3A_201 : vector<16xi32>
      %mul3A_203 = arith.constant 3 : i32
      %mul3A_204 = vector.broadcast %mul3A_203 : i32 to vector<16xi32>
      %mul3A_205 = arith.muli %get3A_184, %mul3A_204 : vector<16xi32>
      %add3A_206 = arith.addi %mul3A_202, %mul3A_205 : vector<16xi32>
      %add3A_207 = arith.addi %add3A_206, %get3A_194 : vector<16xi32>
      %mul3A_208 = arith.constant 27 : i32
      %mul3A_209 = vector.broadcast %mul3A_208 : i32 to vector<16xi32>
      %mul3A_210 = arith.muli %add3A_207, %mul3A_209 : vector<16xi32>
      %mul3A_211 = arith.constant 9 : i32
      %mul3A_212 = vector.broadcast %mul3A_211 : i32 to vector<16xi32>
      %mul3A_213 = arith.muli %get3A_179, %mul3A_212 : vector<16xi32>
      %add3A_214 = arith.addi %mul3A_210, %mul3A_213 : vector<16xi32>
      %mul3A_215 = arith.constant 3 : i32
      %mul3A_216 = vector.broadcast %mul3A_215 : i32 to vector<16xi32>
      %mul3A_217 = arith.muli %get3A_189, %mul3A_216 : vector<16xi32>
      %add3A_218 = arith.addi %add3A_214, %mul3A_217 : vector<16xi32>
      %add3A_219 = arith.addi %add3A_218, %get3A_199 : vector<16xi32>
      %swap3A = arith.index_cast %mul3A_172 : i32 to index
      %swap3A_220 = tpu.vector_load %arg6[%swap3A] {strides = array<i32>} : memref<256xi32, #tpu.memory_space<vmem>>, vector<16xi32>,
      %swap3A_221 = vector.shape_cast %swap3A_220 : vector<16xi32> to vector<16xi32>
      %swap3A_222 = vector.shape_cast %add3A_219 : vector<16xi32> to vector<16xi32>
      tpu.vector_store %arg6[%swap3A], %swap3A_222 {strides = array<i32>} : memref<256xi32, #tpu.memory_space<vmem>>, vector<16xi32>,
    }
    %scan3A_103 = arith.constant 8 : i32
    %dma_start3A_104 = arith.constant 128 : i32
    %dma_start3A_105 = arith.constant 0 : i32
    %dma_start3A_106 = tpu.memref_slice %arg7[%dma_start3A_104, %dma_start3A_105] : memref<256x128xf32, #tpu.memory_space<vmem>> -> memref<128x128xf32, #tpu.memory_space<vmem>>
    %dma_start3A_107 = arith.constant 128 : i32
    %dma_start3A_108 = tpu.memref_slice %arg6[%dma_start3A_107] : memref<256xi32, #tpu.memory_space<vmem>> -> memref<128xi32, #tpu.memory_space<vmem>>
    %dma_start3A_109 = arith.constant 0 : i32
    %dma_start3A_110 = arith.constant 0 : i32
    %dma_start3A_111 = tpu.memref_slice %arg2[%dma_start3A_109, %dma_start3A_110] : memref<736x128xf32, #tpu.memory_space<hbm>> -> memref<736x128xf32, #tpu.memory_space<hbm>>
    tpu.enqueue_indirect_dma source(%dma_start3A_111 : memref<736x128xf32, #tpu.memory_space<hbm>>) target(%dma_start3A_106 : memref<128x128xf32, #tpu.memory_space<vmem>>) offsets(%dma_start3A_108 : memref<128xi32, #tpu.memory_space<vmem>>) semaphore(%arg10 : memref<!tpu.dma_semaphore, #tpu.memory_space<semaphore_mem>>)
    %dma_wait3A_112 = arith.constant 0 : i32
    %dma_wait3A_113 = arith.constant 0 : i32
    %dma_wait3A_114 = tpu.memref_slice %arg7[%dma_wait3A_112, %dma_wait3A_113] : memref<256x128xf32, #tpu.memory_space<vmem>> -> memref<128x128xf32, #tpu.memory_space<vmem>>
    %dma_wait3A_115 = arith.constant 0 : i32
    %dma_wait3A_116 = tpu.memref_slice %arg6[%dma_wait3A_115] : memref<256xi32, #tpu.memory_space<vmem>> -> memref<128xi32, #tpu.memory_space<vmem>>
    %dma_wait3A_117 = arith.constant 0 : i32
    %dma_wait3A_118 = arith.constant 0 : i32
    %dma_wait3A_119 = tpu.memref_slice %arg2[%dma_wait3A_117, %dma_wait3A_118] : memref<736x128xf32, #tpu.memory_space<hbm>> -> memref<736x128xf32, #tpu.memory_space<hbm>>
    tpu.wait_indirect_dma semaphore(%arg9 : memref<!tpu.dma_semaphore, #tpu.memory_space<semaphore_mem>>) src(%dma_wait3A_119 : memref<736x128xf32, #tpu.memory_space<hbm>>) dst(%dma_wait3A_114 : memref<128x128xf32, #tpu.memory_space<vmem>>)
    %dma_start3A_120 = arith.constant 0 : i32
    %dma_start3A_121 = arith.constant 0 : i32
    %dma_start3A_122 = tpu.memref_slice %arg7[%dma_start3A_120, %dma_start3A_121] : memref<256x128xf32, #tpu.memory_space<vmem>> -> memref<128x128xf32, #tpu.memory_space<vmem>>
    %dma_start3A_123 = arith.constant 0 : i32
    %dma_start3A_124 = tpu.memref_slice %arg4[%mul3A_2, %dma_start3A_123] : memref<8192x128xf32, #tpu.memory_space<hbm>> -> memref<128x128xf32, #tpu.memory_space<hbm>>
    %dma_start3A_125 = arith.constant 0 : i32
    %dma_start3A_126 = tpu.memref_slice %arg4[%mul3A_2, %dma_start3A_125] : memref<8192x128xf32, #tpu.memory_space<hbm>> -> memref<128x128xf32, #tpu.memory_space<hbm>>
    %dma_start3A_127 = arith.constant 0 : i32
    %dma_start3A_128 = arith.constant 0 : i32
    %dma_start3A_129 = tpu.memref_slice %arg7[%dma_start3A_127, %dma_start3A_128] : memref<256x128xf32, #tpu.memory_space<vmem>> -> memref<128x128xf32, #tpu.memory_space<vmem>>
    tpu.enqueue_dma source(%dma_start3A_129 : memref<128x128xf32, #tpu.memory_space<vmem>>) target(%dma_start3A_126 : memref<128x128xf32, #tpu.memory_space<hbm>>) target_semaphore(%arg8 : memref<!tpu.dma_semaphore, #tpu.memory_space<semaphore_mem>>)
    %dma_wait3A_130 = arith.constant 128 : i32
    %dma_wait3A_131 = arith.constant 0 : i32
    %dma_wait3A_132 = tpu.memref_slice %arg7[%dma_wait3A_130, %dma_wait3A_131] : memref<256x128xf32, #tpu.memory_space<vmem>> -> memref<128x128xf32, #tpu.memory_space<vmem>>
    %dma_wait3A_133 = arith.constant 128 : i32
    %dma_wait3A_134 = tpu.memref_slice %arg6[%dma_wait3A_133] : memref<256xi32, #tpu.memory_space<vmem>> -> memref<128xi32, #tpu.memory_space<vmem>>
    %dma_wait3A_135 = arith.constant 0 : i32
    %dma_wait3A_136 = arith.constant 0 : i32
    %dma_wait3A_137 = tpu.memref_slice %arg2[%dma_wait3A_135, %dma_wait3A_136] : memref<736x128xf32, #tpu.memory_space<hbm>> -> memref<736x128xf32, #tpu.memory_space<hbm>>
    tpu.wait_indirect_dma semaphore(%arg10 : memref<!tpu.dma_semaphore, #tpu.memory_space<semaphore_mem>>) src(%dma_wait3A_137 : memref<736x128xf32, #tpu.memory_space<hbm>>) dst(%dma_wait3A_132 : memref<128x128xf32, #tpu.memory_space<vmem>>)
    %add3A_138 = arith.constant 128 : i32
    %add3A_139 = arith.addi %mul3A_2, %add3A_138 : i32
    %dma_start3A_140 = arith.constant 128 : i32
    %dma_start3A_141 = arith.constant 0 : i32
    %dma_start3A_142 = tpu.memref_slice %arg7[%dma_start3A_140, %dma_start3A_141] : memref<256x128xf32, #tpu.memory_space<vmem>> -> memref<128x128xf32, #tpu.memory_space<vmem>>
    %dma_start3A_143 = arith.constant 0 : i32
    %dma_start3A_144 = tpu.memref_slice %arg4[%add3A_139, %dma_start3A_143] : memref<8192x128xf32, #tpu.memory_space<hbm>> -> memref<128x128xf32, #tpu.memory_space<hbm>>
    %dma_start3A_145 = arith.constant 0 : i32
    %dma_start3A_146 = tpu.memref_slice %arg4[%add3A_139, %dma_start3A_145] : memref<8192x128xf32, #tpu.memory_space<hbm>> -> memref<128x128xf32, #tpu.memory_space<hbm>>
    %dma_start3A_147 = arith.constant 128 : i32
    %dma_start3A_148 = arith.constant 0 : i32
    %dma_start3A_149 = tpu.memref_slice %arg7[%dma_start3A_147, %dma_start3A_148] : memref<256x128xf32, #tpu.memory_space<vmem>> -> memref<128x128xf32, #tpu.memory_space<vmem>>
    tpu.enqueue_dma source(%dma_start3A_149 : memref<128x128xf32, #tpu.memory_space<vmem>>) target(%dma_start3A_146 : memref<128x128xf32, #tpu.memory_space<hbm>>) target_semaphore(%arg9 : memref<!tpu.dma_semaphore, #tpu.memory_space<semaphore_mem>>)
    %dma_wait3A_150 = arith.constant 0 : i32
    %dma_wait3A_151 = arith.constant 0 : i32
    %dma_wait3A_152 = tpu.memref_slice %arg7[%dma_wait3A_150, %dma_wait3A_151] : memref<256x128xf32, #tpu.memory_space<vmem>> -> memref<128x128xf32, #tpu.memory_space<vmem>>
    %dma_wait3A_153 = arith.constant 0 : i32
    %dma_wait3A_154 = tpu.memref_slice %arg4[%mul3A_2, %dma_wait3A_153] : memref<8192x128xf32, #tpu.memory_space<hbm>> -> memref<128x128xf32, #tpu.memory_space<hbm>>
    %dma_wait3A_155 = arith.constant 0 : i32
    %dma_wait3A_156 = tpu.memref_slice %arg4[%mul3A_2, %dma_wait3A_155] : memref<8192x128xf32, #tpu.memory_space<hbm>> -> memref<128x128xf32, #tpu.memory_space<hbm>>
    %dma_wait3A_157 = arith.constant 0 : i32
    %dma_wait3A_158 = arith.constant 0 : i32
    %dma_wait3A_159 = tpu.memref_slice %arg7[%dma_wait3A_157, %dma_wait3A_158] : memref<256x128xf32, #tpu.memory_space<vmem>> -> memref<128x128xf32, #tpu.memory_space<vmem>>
    tpu.wait_dma2 semaphore(%arg8 : memref<!tpu.dma_semaphore, #tpu.memory_space<semaphore_mem>>) src(%dma_wait3A_159 : memref<128x128xf32, #tpu.memory_space<vmem>>) dst(%dma_wait3A_156 : memref<128x128xf32, #tpu.memory_space<hbm>>)
    %dma_wait3A_160 = arith.constant 128 : i32
    %dma_wait3A_161 = arith.constant 0 : i32
    %dma_wait3A_162 = tpu.memref_slice %arg7[%dma_wait3A_160, %dma_wait3A_161] : memref<256x128xf32, #tpu.memory_space<vmem>> -> memref<128x128xf32, #tpu.memory_space<vmem>>
    %dma_wait3A_163 = arith.constant 0 : i32
    %dma_wait3A_164 = tpu.memref_slice %arg4[%add3A_139, %dma_wait3A_163] : memref<8192x128xf32, #tpu.memory_space<hbm>> -> memref<128x128xf32, #tpu.memory_space<hbm>>
    %dma_wait3A_165 = arith.constant 0 : i32
    %dma_wait3A_166 = tpu.memref_slice %arg4[%add3A_139, %dma_wait3A_165] : memref<8192x128xf32, #tpu.memory_space<hbm>> -> memref<128x128xf32, #tpu.memory_space<hbm>>
    %dma_wait3A_167 = arith.constant 128 : i32
    %dma_wait3A_168 = arith.constant 0 : i32
    %dma_wait3A_169 = tpu.memref_slice %arg7[%dma_wait3A_167, %dma_wait3A_168] : memref<256x128xf32, #tpu.memory_space<vmem>> -> memref<128x128xf32, #tpu.memory_space<vmem>>
    tpu.wait_dma2 semaphore(%arg9 : memref<!tpu.dma_semaphore, #tpu.memory_space<semaphore_mem>>) src(%dma_wait3A_169 : memref<128x128xf32, #tpu.memory_space<vmem>>) dst(%dma_wait3A_166 : memref<128x128xf32, #tpu.memory_space<hbm>>)
    return
  }
}

module attributes {stable_mosaic.version = 14 : i64} {
  func.func @_repack_body(%arg0: i32, %arg1: i32, %arg2: memref<4096x128xf32, #tpu.memory_space<vmem>>, %arg3: memref<64x4096xf32, #tpu.memory_space<vmem>>) attributes {dimension_semantics = [#tpu.dimension_semantics<arbitrary>, #tpu.dimension_semantics<arbitrary>], iteration_bounds = array<i64: 2, 2>, scalar_prefetch = 0 : i64, scratch_operands = 0 : i64, tpu.core_type = #tpu.core_type<tc>, window_params = [{transform_indices = @transform_0, window_bounds = array<i64: 4096, 128>}, {transform_indices = @transform_1, window_bounds = array<i64: 64, 4096>}]} {
    %eq3A = arith.constant 0 : i32
    %eq3A_0 = arith.cmpi eq, %arg1, %eq3A : i32
    %convert_element_type3A = arith.extui %eq3A_0 : i1 to i32
    %cond3A = arith.constant 0 : i32
    %cond3A_1 = arith.cmpi ne, %convert_element_type3A, %cond3A : i32
    scf.if %cond3A_1 {
      %get3A = arith.constant 0 : index
      %get3A_7 = arith.constant 0 : index
      %get3A_8 = vector.load %arg2[%get3A, %get3A_7] : memref<4096x128xf32, #tpu.memory_space<vmem>>, vector<4096x128xf32>
      %slice3A = vector.extract_strided_slice %get3A_8 {offsets = [0, 0], sizes = [4096, 64], strides = [1, 1]} : vector<4096x128xf32> to vector<4096x64xf32>
      %transpose3A = tpu.transpose %slice3A, [1, 0] : vector<4096x64xf32> -> vector<64x4096xf32>
      %swap3A = arith.constant 0 : index
      %swap3A_9 = arith.constant 0 : index
      %swap3A_10 = vector.load %arg3[%swap3A, %swap3A_9] : memref<64x4096xf32, #tpu.memory_space<vmem>>, vector<64x4096xf32>
      tpu.vector_store %arg3[%swap3A, %swap3A_9], %transpose3A {strides = array<i32>} : memref<64x4096xf32, #tpu.memory_space<vmem>>, vector<64x4096xf32>,
    } else {
    }
    %eq3A_2 = arith.constant 1 : i32
    %eq3A_3 = arith.cmpi eq, %arg1, %eq3A_2 : i32
    %convert_element_type3A_4 = arith.extui %eq3A_3 : i1 to i32
    %cond3A_5 = arith.constant 0 : i32
    %cond3A_6 = arith.cmpi ne, %convert_element_type3A_4, %cond3A_5 : i32
    scf.if %cond3A_6 {
      %get3A = arith.constant 0 : index
      %get3A_7 = arith.constant 0 : index
      %get3A_8 = vector.load %arg2[%get3A, %get3A_7] : memref<4096x128xf32, #tpu.memory_space<vmem>>, vector<4096x128xf32>
      %slice3A = vector.extract_strided_slice %get3A_8 {offsets = [0, 64], sizes = [4096, 64], strides = [1, 1]} : vector<4096x128xf32> to vector<4096x64xf32>
      %transpose3A = tpu.transpose %slice3A, [1, 0] : vector<4096x64xf32> -> vector<64x4096xf32>
      %swap3A = arith.constant 0 : index
      %swap3A_9 = arith.constant 0 : index
      %swap3A_10 = vector.load %arg3[%swap3A, %swap3A_9] : memref<64x4096xf32, #tpu.memory_space<vmem>>, vector<64x4096xf32>
      tpu.vector_store %arg3[%swap3A, %swap3A_9], %transpose3A {strides = array<i32>} : memref<64x4096xf32, #tpu.memory_space<vmem>>, vector<64x4096xf32>,
    } else {
    }
    return
  }
  func.func @transform_0(%arg0: i32, %arg1: i32) -> (i32, i32) {
    %c0_i32 = arith.constant 0 : i32
    %c0_i32_0 = arith.constant 0 : i32
    return %arg0, %c0_i32 : i32, i32
  }
  func.func @transform_1(%arg0: i32, %arg1: i32) -> (i32, i32) {
    %mul3A = arith.constant 2 : i32
    %mul3A_0 = arith.muli %arg1, %mul3A : i32
    %add3A = arith.addi %mul3A_0, %arg0 : i32
    %c0_i32 = arith.constant 0 : i32
    %c0_i32_1 = arith.constant 0 : i32
    return %c0_i32, %add3A : i32, i32
  }
}

module attributes {stable_mosaic.version = 14 : i64} {
  func.func @_lut_body(%arg0: memref<3x32xf32, #tpu.memory_space<vmem>>, %arg1: memref<3x32xf32, #tpu.memory_space<vmem>>, %arg2: memref<128x64xf32, #tpu.memory_space<vmem>>, %arg3: memref<64xf32, #tpu.memory_space<vmem>>, %arg4: memref<64x64xf32, #tpu.memory_space<vmem>>, %arg5: memref<64xf32, #tpu.memory_space<vmem>>, %arg6: memref<736x128xf32, #tpu.memory_space<vmem>>) attributes {dimension_semantics = [], scalar_prefetch = 0 : i64, scratch_operands = 0 : i64, tpu.core_type = #tpu.core_type<tc>} {
    %iota3A = tpu.iota {dimensions = array<i32: 0>} : vector<32x1xi32>
    %jit3A = arith.constant 9 : i32
    %div3A = vector.broadcast %jit3A : i32 to vector<32x1xi32>
    %div3A_0 = arith.divsi %iota3A, %div3A : vector<32x1xi32>
    %sign3A = arith.constant 0 : i32
    %sign3A_1 = vector.broadcast %sign3A : i32 to vector<32x1xi32>
    %sign3A_2 = arith.cmpi sgt, %iota3A, %sign3A_1 : vector<32x1xi32>
    %sign3A_3 = arith.extui %sign3A_2 : vector<32x1xi1> to vector<32x1xi32>
    %sign3A_4 = arith.constant 0 : i32
    %sign3A_5 = vector.broadcast %sign3A_4 : i32 to vector<32x1xi32>
    %sign3A_6 = arith.cmpi slt, %iota3A, %sign3A_5 : vector<32x1xi32>
    %sign3A_7 = arith.extui %sign3A_6 : vector<32x1xi1> to vector<32x1xi32>
    %sign3A_8 = arith.subi %sign3A_3, %sign3A_7 : vector<32x1xi32>
    %sign3A_9 = arith.constant 0 : i32
    %sign3A_10 = arith.cmpi sgt, %jit3A, %sign3A_9 : i32
    %sign3A_11 = arith.extui %sign3A_10 : i1 to i32
    %sign3A_12 = arith.constant 0 : i32
    %sign3A_13 = arith.cmpi slt, %jit3A, %sign3A_12 : i32
    %sign3A_14 = arith.extui %sign3A_13 : i1 to i32
    %sign3A_15 = arith.subi %sign3A_11, %sign3A_14 : i32
    %ne3A = vector.broadcast %sign3A_15 : i32 to vector<32x1xi32>
    %ne3A_16 = arith.cmpi ne, %sign3A_8, %ne3A : vector<32x1xi32>
    %rem3A = vector.broadcast %jit3A : i32 to vector<32x1xi32>
    %rem3A_17 = arith.remsi %iota3A, %rem3A : vector<32x1xi32>
    %ne3A_18 = arith.constant 0 : i32
    %ne3A_19 = vector.broadcast %ne3A_18 : i32 to vector<32x1xi32>
    %ne3A_20 = arith.cmpi ne, %rem3A_17, %ne3A_19 : vector<32x1xi32>
    %and3A = arith.andi %ne3A_16, %ne3A_20 : vector<32x1xi1>
    %sub3A = arith.constant 1 : i32
    %sub3A_21 = vector.broadcast %sub3A : i32 to vector<32x1xi32>
    %sub3A_22 = arith.subi %div3A_0, %sub3A_21 : vector<32x1xi32>
    %select_n3A = arith.select %and3A, %sub3A_22, %div3A_0 : vector<32x1xi1>, vector<32x1xi32>
    %jit3A_23 = arith.constant 3 : i32
    %div3A_24 = vector.broadcast %jit3A_23 : i32 to vector<32x1xi32>
    %div3A_25 = arith.divsi %iota3A, %div3A_24 : vector<32x1xi32>
    %sign3A_26 = arith.constant 0 : i32
    %sign3A_27 = vector.broadcast %sign3A_26 : i32 to vector<32x1xi32>
    %sign3A_28 = arith.cmpi sgt, %iota3A, %sign3A_27 : vector<32x1xi32>
    %sign3A_29 = arith.extui %sign3A_28 : vector<32x1xi1> to vector<32x1xi32>
    %sign3A_30 = arith.constant 0 : i32
    %sign3A_31 = vector.broadcast %sign3A_30 : i32 to vector<32x1xi32>
    %sign3A_32 = arith.cmpi slt, %iota3A, %sign3A_31 : vector<32x1xi32>
    %sign3A_33 = arith.extui %sign3A_32 : vector<32x1xi1> to vector<32x1xi32>
    %sign3A_34 = arith.subi %sign3A_29, %sign3A_33 : vector<32x1xi32>
    %sign3A_35 = arith.constant 0 : i32
    %sign3A_36 = arith.cmpi sgt, %jit3A_23, %sign3A_35 : i32
    %sign3A_37 = arith.extui %sign3A_36 : i1 to i32
    %sign3A_38 = arith.constant 0 : i32
    %sign3A_39 = arith.cmpi slt, %jit3A_23, %sign3A_38 : i32
    %sign3A_40 = arith.extui %sign3A_39 : i1 to i32
    %sign3A_41 = arith.subi %sign3A_37, %sign3A_40 : i32
    %ne3A_42 = vector.broadcast %sign3A_41 : i32 to vector<32x1xi32>
    %ne3A_43 = arith.cmpi ne, %sign3A_34, %ne3A_42 : vector<32x1xi32>
    %rem3A_44 = vector.broadcast %jit3A_23 : i32 to vector<32x1xi32>
    %rem3A_45 = arith.remsi %iota3A, %rem3A_44 : vector<32x1xi32>
    %ne3A_46 = arith.constant 0 : i32
    %ne3A_47 = vector.broadcast %ne3A_46 : i32 to vector<32x1xi32>
    %ne3A_48 = arith.cmpi ne, %rem3A_45, %ne3A_47 : vector<32x1xi32>
    %and3A_49 = arith.andi %ne3A_43, %ne3A_48 : vector<32x1xi1>
    %sub3A_50 = arith.constant 1 : i32
    %sub3A_51 = vector.broadcast %sub3A_50 : i32 to vector<32x1xi32>
    %sub3A_52 = arith.subi %div3A_25, %sub3A_51 : vector<32x1xi32>
    %select_n3A_53 = arith.select %and3A_49, %sub3A_52, %div3A_25 : vector<32x1xi1>, vector<32x1xi32>
    %jit3A_54 = arith.constant 3 : i32
    %eq3A = arith.constant 0 : i32
    %eq3A_55 = arith.cmpi eq, %jit3A_54, %eq3A : i32
    %jit3A_56 = arith.constant 1 : i32
    %select_n3A_57 = arith.select %eq3A_55, %jit3A_56, %jit3A_54 : i32
    %rem3A_58 = vector.broadcast %select_n3A_57 : i32 to vector<32x1xi32>
    %rem3A_59 = arith.remsi %select_n3A_53, %rem3A_58 : vector<32x1xi32>
    %ne3A_60 = arith.constant 0 : i32
    %ne3A_61 = vector.broadcast %ne3A_60 : i32 to vector<32x1xi32>
    %ne3A_62 = arith.cmpi ne, %rem3A_59, %ne3A_61 : vector<32x1xi32>
    %lt3A = arith.constant 0 : i32
    %lt3A_63 = vector.broadcast %lt3A : i32 to vector<32x1xi32>
    %lt3A_64 = arith.cmpi slt, %rem3A_59, %lt3A_63 : vector<32x1xi32>
    %lt3A_65 = arith.constant 0 : i32
    %lt3A_66 = arith.cmpi slt, %select_n3A_57, %lt3A_65 : i32
    %ne3A_67 = vector.broadcast %lt3A_66 : i1 to vector<32x1xi1>
    %ne3A_68 = vector.broadcast %ne3A_67 : vector<32x1xi1> to vector<32x1xi1>
    %ne3A_69 = arith.xori %lt3A_64, %ne3A_68 : vector<32x1xi1>
    %and3A_70 = arith.andi %ne3A_69, %ne3A_62 : vector<32x1xi1>
    %add3A = vector.broadcast %select_n3A_57 : i32 to vector<32x1xi32>
    %add3A_71 = arith.addi %rem3A_59, %add3A : vector<32x1xi32>
    %select_n3A_72 = arith.select %and3A_70, %add3A_71, %rem3A_59 : vector<32x1xi1>, vector<32x1xi32>
    %jit3A_73 = arith.constant 3 : i32
    %eq3A_74 = arith.constant 0 : i32
    %eq3A_75 = arith.cmpi eq, %jit3A_73, %eq3A_74 : i32
    %jit3A_76 = arith.constant 1 : i32
    %select_n3A_77 = arith.select %eq3A_75, %jit3A_76, %jit3A_73 : i32
    %rem3A_78 = vector.broadcast %select_n3A_77 : i32 to vector<32x1xi32>
    %rem3A_79 = arith.remsi %iota3A, %rem3A_78 : vector<32x1xi32>
    %ne3A_80 = arith.constant 0 : i32
    %ne3A_81 = vector.broadcast %ne3A_80 : i32 to vector<32x1xi32>
    %ne3A_82 = arith.cmpi ne, %rem3A_79, %ne3A_81 : vector<32x1xi32>
    %lt3A_83 = arith.constant 0 : i32
    %lt3A_84 = vector.broadcast %lt3A_83 : i32 to vector<32x1xi32>
    %lt3A_85 = arith.cmpi slt, %rem3A_79, %lt3A_84 : vector<32x1xi32>
    %lt3A_86 = arith.constant 0 : i32
    %lt3A_87 = arith.cmpi slt, %select_n3A_77, %lt3A_86 : i32
    %ne3A_88 = vector.broadcast %lt3A_87 : i1 to vector<32x1xi1>
    %ne3A_89 = vector.broadcast %ne3A_88 : vector<32x1xi1> to vector<32x1xi1>
    %ne3A_90 = arith.xori %lt3A_85, %ne3A_89 : vector<32x1xi1>
    %and3A_91 = arith.andi %ne3A_90, %ne3A_82 : vector<32x1xi1>
    %add3A_92 = vector.broadcast %select_n3A_77 : i32 to vector<32x1xi32>
    %add3A_93 = arith.addi %rem3A_79, %add3A_92 : vector<32x1xi32>
    %select_n3A_94 = arith.select %and3A_91, %add3A_93, %rem3A_79 : vector<32x1xi1>, vector<32x1xi32>
    %get3A = arith.constant 0 : index
    %get3A_95 = arith.constant 0 : index
    %get3A_96 = vector.load %arg0[%get3A, %get3A_95] : memref<3x32xf32, #tpu.memory_space<vmem>>, vector<3x32xf32>
    %get3A_97 = arith.constant 0 : index
    %get3A_98 = arith.constant 0 : index
    %get3A_99 = vector.load %arg1[%get3A_97, %get3A_98] : memref<3x32xf32, #tpu.memory_space<vmem>>, vector<3x32xf32>
    %broadcast_in_dim3A = arith.constant 0.000000e+00 : f32
    %broadcast_in_dim3A_100 = vector.broadcast %broadcast_in_dim3A : f32 to vector<32x32xf32>
    %eq3A_101 = arith.constant 0 : i32
    %eq3A_102 = vector.broadcast %eq3A_101 : i32 to vector<32x1xi32>
    %eq3A_103 = arith.cmpi eq, %select_n3A, %eq3A_102 : vector<32x1xi32>
    %convert_element_type3A = arith.extui %eq3A_103 : vector<32x1xi1> to vector<32x1xi32>
    %convert_element_type3A_104 = arith.sitofp %convert_element_type3A : vector<32x1xi32> to vector<32x1xf32>
    %eq3A_105 = arith.constant 0 : i32
    %eq3A_106 = vector.broadcast %eq3A_105 : i32 to vector<32x1xi32>
    %eq3A_107 = arith.cmpi eq, %select_n3A_72, %eq3A_106 : vector<32x1xi32>
    %convert_element_type3A_108 = arith.extui %eq3A_107 : vector<32x1xi1> to vector<32x1xi32>
    %convert_element_type3A_109 = arith.sitofp %convert_element_type3A_108 : vector<32x1xi32> to vector<32x1xf32>
    %add3A_110 = arith.addf %convert_element_type3A_104, %convert_element_type3A_109 : vector<32x1xf32>
    %eq3A_111 = arith.constant 0 : i32
    %eq3A_112 = vector.broadcast %eq3A_111 : i32 to vector<32x1xi32>
    %eq3A_113 = arith.cmpi eq, %select_n3A_94, %eq3A_112 : vector<32x1xi32>
    %convert_element_type3A_114 = arith.extui %eq3A_113 : vector<32x1xi1> to vector<32x1xi32>
    %convert_element_type3A_115 = arith.sitofp %convert_element_type3A_114 : vector<32x1xi32> to vector<32x1xf32>
    %add3A_116 = arith.addf %add3A_110, %convert_element_type3A_115 : vector<32x1xf32>
    %slice3A = vector.extract_strided_slice %get3A_96 {offsets = [0, 0], sizes = [1, 32], strides = [1, 1]} : vector<3x32xf32> to vector<1x32xf32>
    %mul3A = vector.broadcast %add3A_116 : vector<32x1xf32> to vector<32x32xf32>
    %mul3A_117 = vector.broadcast %slice3A : vector<1x32xf32> to vector<32x32xf32>
    %mul3A_118 = arith.mulf %mul3A, %mul3A_117 : vector<32x32xf32>
    %add3A_119 = arith.addf %broadcast_in_dim3A_100, %mul3A_118 : vector<32x32xf32>
    %eq3A_120 = arith.constant 1 : i32
    %eq3A_121 = vector.broadcast %eq3A_120 : i32 to vector<32x1xi32>
    %eq3A_122 = arith.cmpi eq, %select_n3A, %eq3A_121 : vector<32x1xi32>
    %convert_element_type3A_123 = arith.extui %eq3A_122 : vector<32x1xi1> to vector<32x1xi32>
    %convert_element_type3A_124 = arith.sitofp %convert_element_type3A_123 : vector<32x1xi32> to vector<32x1xf32>
    %eq3A_125 = arith.constant 1 : i32
    %eq3A_126 = vector.broadcast %eq3A_125 : i32 to vector<32x1xi32>
    %eq3A_127 = arith.cmpi eq, %select_n3A_72, %eq3A_126 : vector<32x1xi32>
    %convert_element_type3A_128 = arith.extui %eq3A_127 : vector<32x1xi1> to vector<32x1xi32>
    %convert_element_type3A_129 = arith.sitofp %convert_element_type3A_128 : vector<32x1xi32> to vector<32x1xf32>
    %add3A_130 = arith.addf %convert_element_type3A_124, %convert_element_type3A_129 : vector<32x1xf32>
    %eq3A_131 = arith.constant 1 : i32
    %eq3A_132 = vector.broadcast %eq3A_131 : i32 to vector<32x1xi32>
    %eq3A_133 = arith.cmpi eq, %select_n3A_94, %eq3A_132 : vector<32x1xi32>
    %convert_element_type3A_134 = arith.extui %eq3A_133 : vector<32x1xi1> to vector<32x1xi32>
    %convert_element_type3A_135 = arith.sitofp %convert_element_type3A_134 : vector<32x1xi32> to vector<32x1xf32>
    %add3A_136 = arith.addf %add3A_130, %convert_element_type3A_135 : vector<32x1xf32>
    %slice3A_137 = vector.extract_strided_slice %get3A_96 {offsets = [1, 0], sizes = [1, 32], strides = [1, 1]} : vector<3x32xf32> to vector<1x32xf32>
    %mul3A_138 = vector.broadcast %add3A_136 : vector<32x1xf32> to vector<32x32xf32>
    %mul3A_139 = vector.broadcast %slice3A_137 : vector<1x32xf32> to vector<32x32xf32>
    %mul3A_140 = arith.mulf %mul3A_138, %mul3A_139 : vector<32x32xf32>
    %add3A_141 = arith.addf %add3A_119, %mul3A_140 : vector<32x32xf32>
    %eq3A_142 = arith.constant 2 : i32
    %eq3A_143 = vector.broadcast %eq3A_142 : i32 to vector<32x1xi32>
    %eq3A_144 = arith.cmpi eq, %select_n3A, %eq3A_143 : vector<32x1xi32>
    %convert_element_type3A_145 = arith.extui %eq3A_144 : vector<32x1xi1> to vector<32x1xi32>
    %convert_element_type3A_146 = arith.sitofp %convert_element_type3A_145 : vector<32x1xi32> to vector<32x1xf32>
    %eq3A_147 = arith.constant 2 : i32
    %eq3A_148 = vector.broadcast %eq3A_147 : i32 to vector<32x1xi32>
    %eq3A_149 = arith.cmpi eq, %select_n3A_72, %eq3A_148 : vector<32x1xi32>
    %convert_element_type3A_150 = arith.extui %eq3A_149 : vector<32x1xi1> to vector<32x1xi32>
    %convert_element_type3A_151 = arith.sitofp %convert_element_type3A_150 : vector<32x1xi32> to vector<32x1xf32>
    %add3A_152 = arith.addf %convert_element_type3A_146, %convert_element_type3A_151 : vector<32x1xf32>
    %eq3A_153 = arith.constant 2 : i32
    %eq3A_154 = vector.broadcast %eq3A_153 : i32 to vector<32x1xi32>
    %eq3A_155 = arith.cmpi eq, %select_n3A_94, %eq3A_154 : vector<32x1xi32>
    %convert_element_type3A_156 = arith.extui %eq3A_155 : vector<32x1xi1> to vector<32x1xi32>
    %convert_element_type3A_157 = arith.sitofp %convert_element_type3A_156 : vector<32x1xi32> to vector<32x1xf32>
    %add3A_158 = arith.addf %add3A_152, %convert_element_type3A_157 : vector<32x1xf32>
    %slice3A_159 = vector.extract_strided_slice %get3A_96 {offsets = [2, 0], sizes = [1, 32], strides = [1, 1]} : vector<3x32xf32> to vector<1x32xf32>
    %mul3A_160 = vector.broadcast %add3A_158 : vector<32x1xf32> to vector<32x32xf32>
    %mul3A_161 = vector.broadcast %slice3A_159 : vector<1x32xf32> to vector<32x32xf32>
    %mul3A_162 = arith.mulf %mul3A_160, %mul3A_161 : vector<32x32xf32>
    %add3A_163 = arith.addf %add3A_141, %mul3A_162 : vector<32x32xf32>
    %div3A_164 = arith.constant 3.000000e+00 : f32
    %div3A_165 = vector.broadcast %div3A_164 : f32 to vector<32x32xf32>
    %div3A_166 = arith.divf %add3A_163, %div3A_165 : vector<32x32xf32>
    %slice3A_167 = vector.extract_strided_slice %get3A_99 {offsets = [0, 0], sizes = [1, 32], strides = [1, 1]} : vector<3x32xf32> to vector<1x32xf32>
    %slice3A_168 = vector.extract_strided_slice %get3A_99 {offsets = [1, 0], sizes = [1, 32], strides = [1, 1]} : vector<3x32xf32> to vector<1x32xf32>
    %add3A_169 = arith.addf %slice3A_167, %slice3A_168 : vector<1x32xf32>
    %slice3A_170 = vector.extract_strided_slice %get3A_99 {offsets = [2, 0], sizes = [1, 32], strides = [1, 1]} : vector<3x32xf32> to vector<1x32xf32>
    %add3A_171 = arith.addf %add3A_169, %slice3A_170 : vector<1x32xf32>
    %div3A_172 = arith.constant 3.000000e+00 : f32
    %div3A_173 = vector.broadcast %div3A_172 : f32 to vector<1x32xf32>
    %div3A_174 = arith.divf %add3A_171, %div3A_173 : vector<1x32xf32>
    %broadcast_in_dim3A_175 = vector.shape_cast %div3A_174 : vector<1x32xf32> to vector<1x32xf32>
    %broadcast_in_dim3A_176 = vector.broadcast %broadcast_in_dim3A_175 : vector<1x32xf32> to vector<32x32xf32>
    %concatenate3A = tpu.concatenate %div3A_166, %broadcast_in_dim3A_176 in 1 : vector<32x32xf32>, vector<32x32xf32> -> vector<32x64xf32>
    %add3A_177 = arith.addi %select_n3A, %select_n3A_72 : vector<32x1xi32>
    %add3A_178 = arith.addi %add3A_177, %select_n3A_94 : vector<32x1xi32>
    %convert_element_type3A_179 = arith.sitofp %add3A_178 : vector<32x1xi32> to vector<32x1xf32>
    %div3A_180 = arith.constant 3.000000e+00 : f32
    %div3A_181 = vector.broadcast %div3A_180 : f32 to vector<32x1xf32>
    %div3A_182 = arith.divf %convert_element_type3A_179, %div3A_181 : vector<32x1xf32>
    %mul3A_183 = arith.constant 2.09439516 : f32
    %mul3A_184 = vector.broadcast %mul3A_183 : f32 to vector<32x1xf32>
    %mul3A_185 = arith.mulf %mul3A_184, %div3A_182 : vector<32x1xf32>
    %iota3A_186 = tpu.iota {dimensions = array<i32: 1>} : vector<1x64xi32>
    %jit3A_187 = arith.constant 2 : i32
    %eq3A_188 = arith.constant 0 : i32
    %eq3A_189 = arith.cmpi eq, %jit3A_187, %eq3A_188 : i32
    %jit3A_190 = arith.constant 1 : i32
    %select_n3A_191 = arith.select %eq3A_189, %jit3A_190, %jit3A_187 : i32
    %rem3A_192 = vector.broadcast %select_n3A_191 : i32 to vector<1x64xi32>
    %rem3A_193 = arith.remsi %iota3A_186, %rem3A_192 : vector<1x64xi32>
    %ne3A_194 = arith.constant 0 : i32
    %ne3A_195 = vector.broadcast %ne3A_194 : i32 to vector<1x64xi32>
    %ne3A_196 = arith.cmpi ne, %rem3A_193, %ne3A_195 : vector<1x64xi32>
    %lt3A_197 = arith.constant 0 : i32
    %lt3A_198 = vector.broadcast %lt3A_197 : i32 to vector<1x64xi32>
    %lt3A_199 = arith.cmpi slt, %rem3A_193, %lt3A_198 : vector<1x64xi32>
    %lt3A_200 = arith.constant 0 : i32
    %lt3A_201 = arith.cmpi slt, %select_n3A_191, %lt3A_200 : i32
    %ne3A_202 = vector.broadcast %lt3A_201 : i1 to vector<1x64xi1>
    %ne3A_203 = vector.broadcast %ne3A_202 : vector<1x64xi1> to vector<1x64xi1>
    %ne3A_204 = arith.xori %lt3A_199, %ne3A_203 : vector<1x64xi1>
    %and3A_205 = arith.andi %ne3A_204, %ne3A_196 : vector<1x64xi1>
    %add3A_206 = vector.broadcast %select_n3A_191 : i32 to vector<1x64xi32>
    %add3A_207 = arith.addi %rem3A_193, %add3A_206 : vector<1x64xi32>
    %select_n3A_208 = arith.select %and3A_205, %add3A_207, %rem3A_193 : vector<1x64xi1>, vector<1x64xi32>
    %sub3A_209 = arith.subi %iota3A_186, %select_n3A_208 : vector<1x64xi32>
    %convert_element_type3A_210 = arith.sitofp %sub3A_209 : vector<1x64xi32> to vector<1x64xf32>
    %mul3A_211 = arith.constant -0.14391157 : f32
    %mul3A_212 = vector.broadcast %mul3A_211 : f32 to vector<1x64xf32>
    %mul3A_213 = arith.mulf %convert_element_type3A_210, %mul3A_212 : vector<1x64xf32>
    %exp3A = math.exp %mul3A_213 : vector<1x64xf32>
    %mul3A_214 = vector.broadcast %mul3A_185 : vector<32x1xf32> to vector<32x64xf32>
    %mul3A_215 = vector.broadcast %exp3A : vector<1x64xf32> to vector<32x64xf32>
    %mul3A_216 = arith.mulf %mul3A_214, %mul3A_215 : vector<32x64xf32>
    %jit3A_217 = arith.constant 2 : i32
    %eq3A_218 = arith.constant 0 : i32
    %eq3A_219 = arith.cmpi eq, %jit3A_217, %eq3A_218 : i32
    %jit3A_220 = arith.constant 1 : i32
    %select_n3A_221 = arith.select %eq3A_219, %jit3A_220, %jit3A_217 : i32
    %rem3A_222 = vector.broadcast %select_n3A_221 : i32 to vector<1x64xi32>
    %rem3A_223 = arith.remsi %iota3A_186, %rem3A_222 : vector<1x64xi32>
    %ne3A_224 = arith.constant 0 : i32
    %ne3A_225 = vector.broadcast %ne3A_224 : i32 to vector<1x64xi32>
    %ne3A_226 = arith.cmpi ne, %rem3A_223, %ne3A_225 : vector<1x64xi32>
    %lt3A_227 = arith.constant 0 : i32
    %lt3A_228 = vector.broadcast %lt3A_227 : i32 to vector<1x64xi32>
    %lt3A_229 = arith.cmpi slt, %rem3A_223, %lt3A_228 : vector<1x64xi32>
    %lt3A_230 = arith.constant 0 : i32
    %lt3A_231 = arith.cmpi slt, %select_n3A_221, %lt3A_230 : i32
    %ne3A_232 = vector.broadcast %lt3A_231 : i1 to vector<1x64xi1>
    %ne3A_233 = vector.broadcast %ne3A_232 : vector<1x64xi1> to vector<1x64xi1>
    %ne3A_234 = arith.xori %lt3A_229, %ne3A_233 : vector<1x64xi1>
    %and3A_235 = arith.andi %ne3A_234, %ne3A_226 : vector<1x64xi1>
    %add3A_236 = vector.broadcast %select_n3A_221 : i32 to vector<1x64xi32>
    %add3A_237 = arith.addi %rem3A_223, %add3A_236 : vector<1x64xi32>
    %select_n3A_238 = arith.select %and3A_235, %add3A_237, %rem3A_223 : vector<1x64xi1>, vector<1x64xi32>
    %eq3A_239 = arith.constant 0 : i32
    %eq3A_240 = vector.broadcast %eq3A_239 : i32 to vector<1x64xi32>
    %eq3A_241 = arith.cmpi eq, %select_n3A_238, %eq3A_240 : vector<1x64xi32>
    %sin3A = math.sin %mul3A_216 : vector<32x64xf32>
    %cos3A = math.cos %mul3A_216 : vector<32x64xf32>
    %broadcast_in_dim3A_242 = vector.shape_cast %eq3A_241 : vector<1x64xi1> to vector<1x64xi1>
    %broadcast_in_dim3A_243 = vector.broadcast %broadcast_in_dim3A_242 : vector<1x64xi1> to vector<32x64xi1>
    %select_n3A_244 = arith.select %broadcast_in_dim3A_243, %sin3A, %cos3A : vector<32x64xi1>, vector<32x64xf32>
    %concatenate3A_245 = tpu.concatenate %concatenate3A, %select_n3A_244 in 1 : vector<32x64xf32>, vector<32x64xf32> -> vector<32x128xf32>
    %get3A_246 = arith.constant 0 : index
    %get3A_247 = arith.constant 0 : index
    %get3A_248 = vector.load %arg2[%get3A_246, %get3A_247] : memref<128x64xf32, #tpu.memory_space<vmem>>, vector<128x64xf32>
    %dot_general3A = arith.constant dense<0.000000e+00> : vector<32x64xf32>
    %dot_general3A_249 = tpu.matmul %concatenate3A_245, %get3A_248, %dot_general3A {dimension_numbers = #tpu.dot_dimension_numbers<[1], [0], [0], [1], [0, 0, 1, 1], [], []>, transpose_lhs_hint = false} : vector<32x128xf32>, vector<128x64xf32>, vector<32x64xf32> -> vector<32x64xf32>
    %get3A_250 = arith.constant 0 : index
    %get3A_251 = vector.load %arg3[%get3A_250] : memref<64xf32, #tpu.memory_space<vmem>>, vector<64xf32>
    %broadcast_in_dim3A_252 = vector.shape_cast %get3A_251 : vector<64xf32> to vector<1x64xf32>
    %add3A_253 = vector.broadcast %broadcast_in_dim3A_252 : vector<1x64xf32> to vector<32x64xf32>
    %add3A_254 = arith.addf %dot_general3A_249, %add3A_253 : vector<32x64xf32>
    %mul3A_255 = arith.constant 5.000000e-01 : f32
    %mul3A_256 = vector.broadcast %mul3A_255 : f32 to vector<32x64xf32>
    %mul3A_257 = arith.mulf %mul3A_256, %add3A_254 : vector<32x64xf32>
    %div3A_258 = arith.constant 1.41421354 : f32
    %div3A_259 = vector.broadcast %div3A_258 : f32 to vector<32x64xf32>
    %div3A_260 = arith.divf %add3A_254, %div3A_259 : vector<32x64xf32>
    %erf3A = math.erf %div3A_260 : vector<32x64xf32>
    %add3A_261 = arith.constant 1.000000e+00 : f32
    %add3A_262 = vector.broadcast %add3A_261 : f32 to vector<32x64xf32>
    %add3A_263 = arith.addf %add3A_262, %erf3A : vector<32x64xf32>
    %mul3A_264 = arith.mulf %mul3A_257, %add3A_263 : vector<32x64xf32>
    %get3A_265 = arith.constant 0 : index
    %get3A_266 = arith.constant 0 : index
    %get3A_267 = vector.load %arg4[%get3A_265, %get3A_266] : memref<64x64xf32, #tpu.memory_space<vmem>>, vector<64x64xf32>
    %dot_general3A_268 = arith.constant dense<0.000000e+00> : vector<32x64xf32>
    %dot_general3A_269 = tpu.matmul %mul3A_264, %get3A_267, %dot_general3A_268 {dimension_numbers = #tpu.dot_dimension_numbers<[1], [0], [0], [1], [0, 0, 1, 1], [], []>, transpose_lhs_hint = false} : vector<32x64xf32>, vector<64x64xf32>, vector<32x64xf32> -> vector<32x64xf32>
    %get3A_270 = arith.constant 0 : index
    %get3A_271 = vector.load %arg5[%get3A_270] : memref<64xf32, #tpu.memory_space<vmem>>, vector<64xf32>
    %broadcast_in_dim3A_272 = vector.shape_cast %get3A_271 : vector<64xf32> to vector<1x64xf32>
    %add3A_273 = vector.broadcast %broadcast_in_dim3A_272 : vector<1x64xf32> to vector<32x64xf32>
    %add3A_274 = arith.addf %dot_general3A_269, %add3A_273 : vector<32x64xf32>
    %mul3A_275 = arith.mulf %add3A_274, %add3A_274 : vector<32x64xf32>
    %reduce_sum3A = arith.constant dense<0.000000e+00> : vector<32xf32>
    %reduce_sum3A_276 = vector.multi_reduction <add>, %mul3A_275, %reduce_sum3A [1] : vector<32x64xf32> to vector<32xf32>
    %broadcast_in_dim3A_277 = vector.shape_cast %reduce_sum3A_276 : vector<32xf32> to vector<32x1xf32>
    %sqrt3A = math.sqrt %broadcast_in_dim3A_277 : vector<32x1xf32>
    %broadcast_in_dim3A_278 = arith.constant 1.000000e+00 : f32
    %broadcast_in_dim3A_279 = vector.broadcast %broadcast_in_dim3A_278 : f32 to vector<32x1xf32>
    %add3A_280 = arith.constant 9.99999993E-9 : f32
    %add3A_281 = vector.broadcast %add3A_280 : f32 to vector<32x1xf32>
    %add3A_282 = arith.addf %sqrt3A, %add3A_281 : vector<32x1xf32>
    %div3A_283 = arith.constant 0.949999988 : f32
    %div3A_284 = vector.broadcast %div3A_283 : f32 to vector<32x1xf32>
    %div3A_285 = arith.divf %div3A_284, %add3A_282 : vector<32x1xf32>
    %min3A = arith.minimumf %broadcast_in_dim3A_279, %div3A_285 : vector<32x1xf32>
    %mul3A_286 = vector.broadcast %min3A : vector<32x1xf32> to vector<32x64xf32>
    %mul3A_287 = arith.mulf %add3A_274, %mul3A_286 : vector<32x64xf32>
    %iota3A_288 = tpu.iota {dimensions = array<i32: 0>} : vector<736x1xi32>
    %iota3A_289 = tpu.iota {dimensions = array<i32: 1>} : vector<1x32xi32>
    %jit3A_290 = arith.constant 27 : i32
    %div3A_291 = vector.broadcast %jit3A_290 : i32 to vector<736x1xi32>
    %div3A_292 = arith.divsi %iota3A_288, %div3A_291 : vector<736x1xi32>
    %sign3A_293 = arith.constant 0 : i32
    %sign3A_294 = vector.broadcast %sign3A_293 : i32 to vector<736x1xi32>
    %sign3A_295 = arith.cmpi sgt, %iota3A_288, %sign3A_294 : vector<736x1xi32>
    %sign3A_296 = arith.extui %sign3A_295 : vector<736x1xi1> to vector<736x1xi32>
    %sign3A_297 = arith.constant 0 : i32
    %sign3A_298 = vector.broadcast %sign3A_297 : i32 to vector<736x1xi32>
    %sign3A_299 = arith.cmpi slt, %iota3A_288, %sign3A_298 : vector<736x1xi32>
    %sign3A_300 = arith.extui %sign3A_299 : vector<736x1xi1> to vector<736x1xi32>
    %sign3A_301 = arith.subi %sign3A_296, %sign3A_300 : vector<736x1xi32>
    %sign3A_302 = arith.constant 0 : i32
    %sign3A_303 = arith.cmpi sgt, %jit3A_290, %sign3A_302 : i32
    %sign3A_304 = arith.extui %sign3A_303 : i1 to i32
    %sign3A_305 = arith.constant 0 : i32
    %sign3A_306 = arith.cmpi slt, %jit3A_290, %sign3A_305 : i32
    %sign3A_307 = arith.extui %sign3A_306 : i1 to i32
    %sign3A_308 = arith.subi %sign3A_304, %sign3A_307 : i32
    %ne3A_309 = vector.broadcast %sign3A_308 : i32 to vector<736x1xi32>
    %ne3A_310 = arith.cmpi ne, %sign3A_301, %ne3A_309 : vector<736x1xi32>
    %rem3A_311 = vector.broadcast %jit3A_290 : i32 to vector<736x1xi32>
    %rem3A_312 = arith.remsi %iota3A_288, %rem3A_311 : vector<736x1xi32>
    %ne3A_313 = arith.constant 0 : i32
    %ne3A_314 = vector.broadcast %ne3A_313 : i32 to vector<736x1xi32>
    %ne3A_315 = arith.cmpi ne, %rem3A_312, %ne3A_314 : vector<736x1xi32>
    %and3A_316 = arith.andi %ne3A_310, %ne3A_315 : vector<736x1xi1>
    %sub3A_317 = arith.constant 1 : i32
    %sub3A_318 = vector.broadcast %sub3A_317 : i32 to vector<736x1xi32>
    %sub3A_319 = arith.subi %div3A_292, %sub3A_318 : vector<736x1xi32>
    %select_n3A_320 = arith.select %and3A_316, %sub3A_319, %div3A_292 : vector<736x1xi1>, vector<736x1xi32>
    %eq3A_321 = vector.broadcast %select_n3A_320 : vector<736x1xi32> to vector<736x32xi32>
    %eq3A_322 = vector.broadcast %iota3A_289 : vector<1x32xi32> to vector<736x32xi32>
    %eq3A_323 = arith.cmpi eq, %eq3A_321, %eq3A_322 : vector<736x32xi32>
    %convert_element_type3A_324 = arith.extui %eq3A_323 : vector<736x32xi1> to vector<736x32xi32>
    %convert_element_type3A_325 = arith.sitofp %convert_element_type3A_324 : vector<736x32xi32> to vector<736x32xf32>
    %jit3A_326 = arith.constant 27 : i32
    %eq3A_327 = arith.constant 0 : i32
    %eq3A_328 = arith.cmpi eq, %jit3A_326, %eq3A_327 : i32
    %jit3A_329 = arith.constant 1 : i32
    %select_n3A_330 = arith.select %eq3A_328, %jit3A_329, %jit3A_326 : i32
    %rem3A_331 = vector.broadcast %select_n3A_330 : i32 to vector<736x1xi32>
    %rem3A_332 = arith.remsi %iota3A_288, %rem3A_331 : vector<736x1xi32>
    %ne3A_333 = arith.constant 0 : i32
    %ne3A_334 = vector.broadcast %ne3A_333 : i32 to vector<736x1xi32>
    %ne3A_335 = arith.cmpi ne, %rem3A_332, %ne3A_334 : vector<736x1xi32>
    %lt3A_336 = arith.constant 0 : i32
    %lt3A_337 = vector.broadcast %lt3A_336 : i32 to vector<736x1xi32>
    %lt3A_338 = arith.cmpi slt, %rem3A_332, %lt3A_337 : vector<736x1xi32>
    %lt3A_339 = arith.constant 0 : i32
    %lt3A_340 = arith.cmpi slt, %select_n3A_330, %lt3A_339 : i32
    %ne3A_341 = vector.broadcast %lt3A_340 : i1 to vector<736x1xi1>
    %ne3A_342 = vector.broadcast %ne3A_341 : vector<736x1xi1> to vector<736x1xi1>
    %ne3A_343 = arith.xori %lt3A_338, %ne3A_342 : vector<736x1xi1>
    %and3A_344 = arith.andi %ne3A_343, %ne3A_335 : vector<736x1xi1>
    %add3A_345 = vector.broadcast %select_n3A_330 : i32 to vector<736x1xi32>
    %add3A_346 = arith.addi %rem3A_332, %add3A_345 : vector<736x1xi32>
    %select_n3A_347 = arith.select %and3A_344, %add3A_346, %rem3A_332 : vector<736x1xi1>, vector<736x1xi32>
    %eq3A_348 = vector.broadcast %select_n3A_347 : vector<736x1xi32> to vector<736x32xi32>
    %eq3A_349 = vector.broadcast %iota3A_289 : vector<1x32xi32> to vector<736x32xi32>
    %eq3A_350 = arith.cmpi eq, %eq3A_348, %eq3A_349 : vector<736x32xi32>
    %convert_element_type3A_351 = arith.extui %eq3A_350 : vector<736x32xi1> to vector<736x32xi32>
    %convert_element_type3A_352 = arith.sitofp %convert_element_type3A_351 : vector<736x32xi32> to vector<736x32xf32>
    %dot_general3A_353 = arith.constant dense<0.000000e+00> : vector<736x64xf32>
    %dot_general3A_354 = tpu.matmul %convert_element_type3A_325, %mul3A_287, %dot_general3A_353 {dimension_numbers = #tpu.dot_dimension_numbers<[1], [0], [0], [1], [0, 0, 1, 1], [], []>, precision = #tpu.contract_precision<fp32>, transpose_lhs_hint = false} : vector<736x32xf32>, vector<32x64xf32>, vector<736x64xf32> -> vector<736x64xf32>
    %dot_general3A_355 = arith.constant dense<0.000000e+00> : vector<736x64xf32>
    %dot_general3A_356 = tpu.matmul %convert_element_type3A_352, %mul3A_287, %dot_general3A_355 {dimension_numbers = #tpu.dot_dimension_numbers<[1], [0], [0], [1], [0, 0, 1, 1], [], []>, precision = #tpu.contract_precision<fp32>, transpose_lhs_hint = false} : vector<736x32xf32>, vector<32x64xf32>, vector<736x64xf32> -> vector<736x64xf32>
    %concatenate3A_357 = tpu.concatenate %dot_general3A_354, %dot_general3A_356 in 1 : vector<736x64xf32>, vector<736x64xf32> -> vector<736x128xf32>
    %swap3A = arith.constant 0 : index
    %swap3A_358 = arith.constant 0 : index
    %swap3A_359 = vector.load %arg6[%swap3A, %swap3A_358] : memref<736x128xf32, #tpu.memory_space<vmem>>, vector<736x128xf32>
    tpu.vector_store %arg6[%swap3A, %swap3A_358], %concatenate3A_357 {strides = array<i32>} : memref<736x128xf32, #tpu.memory_space<vmem>>, vector<736x128xf32>,
    return
  }
}

</mosaic_0001>

<sc_bundles>
// kernel: kernel.5.cloned.1.call-start
scs
__scs_entry_jumppad:
0x0: {  	(pc) =	sbr.rel $0x88, $3  }
0x1: {  	(tag) =	ssettag $0x0;
	lr =	simm.s32 $0x1  }
0x2: {  	[smem:$0x3F9A] =	sst lr;
	_ =	strace $0xD0000000  }
0x3: {  	_ = 	snop  }
0x4: {  	_ = 	snop  }
0x5: {  	_ = 	snop  }
0x6: {  	_ = 	snop  }
0x7: {  	_ = 	snop  }
__scs_overlays_trampoline_lowered:
0x8: {  	[smem:$0x3FA9] =	sst s0  }
0x9: {  	[smem:$0x3FAA] =	sst s1  }
0xa: {  	[smem:$0x3FAB] =	sst s2  }
0xb: {  	[smem:$0x3FAC] =	sst s3  }
0xc: {  	[smem:$0x3FAD] =	sst s4  }
0xd: {  	[smem:$0x3FAE] =	sst s5  }
0xe: {  	[smem:$0x3FAF] =	sst s6  }
0xf: {  	[smem:$0x3FB0] =	sst s7  }
0x10: {  	[smem:$0x3FB1] =	sst s8  }
0x11: {  	[smem:$0x3FB2] =	sst s9;
	s0 =	simm.s32 @!p0 $0x0  }
0x12: {  	s1 =	sld [smem:$0x3F98];
	s0 =	simm.s32 @p0 $0x1  }
0x13: {  	[smem:$0x3FB3] =	sst s0;
	s0 =	simm.s32 @!p1 $0x0  }
0x14: {  	s2 =	sld [smem:$0x3F97];
	s0 =	simm.s32 @p1 $0x1  }
0x15: {  	[smem:$0x3FB4] =	sst s0;
	s0 =	simm.s32 @!p2 $0x0  }
0x16: {  	s3 =	sld [smem:$0x3FDB];
	s0 =	simm.s32 @p2 $0x1  }
0x17: {  	s4 =	simm.s32 $0x1BF5;
	[smem:$0x3FB6] =	sst s0  }
0x18: {  	s0 =	sld [smem:$0x3F99];
	_ =	swait.ge [sflag:s4], $0x0  }
0x19: {  	s7 =	sld [smem:$0x3F9A]  }
0x1a: {  	s8 =	sadd.s32 $0xFFFFE003, lr  }
0x1b: {  	s9 =	sadd.s32 $0xFFFFFEF7, lr;
	s5 =	simm.s32 $0xFFFFFFFF;
	p2 =	slt.u32 s8, $0xFFFFF086  }
0x1c: {  	p1 =	slt.u32 s9, $0xF7A;
	s5 =	simm.s32 @!p2 $0x0  }
0x1d: {  	s5 =	simm.s32 @p1 $0x1;
	p0 =	seq.s32 s7, s2  }
0x1e: {  	s7 =	smul.u32 @!p0 $0xF7A, s2;
	p2 =	seq.s32 @!p0 s5, $0x0  }
0x1f: {  	s9 =	smul.u32 $0xF7A, s1;
	s8 =	simm.s32 @!p0 $0x1BF5;
	p2 =	por !p2, p0  }
0x20: {  	[sflag:s8] =	ssyncset.s32 @!p0 $0xFFFFF086;
	s6 =	sadd.s32 @!p0 s3, s7;
	s7 =	simm.s32 @!p0 $0x108  }
0x21: {  	s3 =	sadd.s32 s3, s9;
	s6 =	sadd.s32 @!p0 $0x88, s6;
	s7 =	simm.s32 @p2 $0x1082  }
0x22: {  	[simem:s7], [sflag:s8] =	dma.local @!p0 [hbm:s6], $0xF7A  }
0x23: {  	s9 =	sor.u32 $0xD0000000, s2;
	s6 =	simm.s32 $0x108;
	_ =	swait.ge @!p0 [sflag:s8], $0x0  }
0x24: {  	s3 =	sadd.s32 $0x88, s3;
	s6 =	simm.s32 @!p1 $0x1082;
	[sflag:s4] =	ssyncset.s32 $0xFFFFF086  }
0x25: {  	[simem:s6], [sflag:s4] =	dma.local [hbm:s3], $0xF7A  }
0x26: {  	[smem:$0x3F9A] =	sst s1;
	(tag) =	ssettag s2;
	_ =	strace s9  }
0x27: {  	s1 =	sld [smem:$0x3FAA]  }
0x28: {  	s2 =	sld [smem:$0x3FAB]  }
0x29: {  	s4 =	sld [smem:$0x3FAD]  }
0x2a: {  	p0 =	seq.s32 s5, $0x0;
	s5 =	sld [smem:$0x3FAE]  }
0x2b: {  	s6 =	sld [smem:$0x3FAF]  }
0x2c: {  	s7 =	sld [smem:$0x3FB0]  }
0x2d: {  	s3 =	simm.s32 $0x108;
	s8 =	sld [smem:$0x3FB1]  }
0x2e: {  	s3 =	simm.s32 @!p0 $0x1082;
	s9 =	sld [smem:$0x3FB2]  }
0x2f: {  	lr =	sadd.s32 s0, s3;
	s0 =	sld [smem:$0x3FA9]  }
0x30: {  	s3 =	sld [smem:$0x3FAC]  }
0x31: {  	[smem:$0x3FB5] =	sst s10  }
0x32: {  	s10 =	sld [smem:$0x3FB3];
	_ =	sdelay $0x3  }
0x33: {  	p0 =	seq.s32 s10, $0x1;
	s10 =	sld [smem:$0x3FB5];
	_ =	sdelay $0x3  }
0x34: {  	[smem:$0x3FB5] =	sst s10  }
0x35: {  	s10 =	sld [smem:$0x3FB4];
	_ =	sdelay $0x3  }
0x36: {  	p1 =	seq.s32 s10, $0x1;
	s10 =	sld [smem:$0x3FB5];
	_ =	sdelay $0x3  }
0x37: {  	[smem:$0x3FB5] =	sst s10  }
0x38: {  	s10 =	sld [smem:$0x3FB6]  }
0x39: {  	_ = 	snop;
	(pc) =	sbr.ind lr, $3  }
0x3a: {  	_ = 	snop  }
0x3b: {  	_ = 	snop  }
0x3c: {  	p2 =	seq.s32 s10, $0x1;
	s10 =	sld [smem:$0x3FB5]  }
0x3d: {  	_ =	shalt  }
0x3e: {  	_ =	shalt  }
0x3f: {  	_ =	shalt  }
0x40: {  	_ =	shalt  }
0x41: {  	_ =	shalt  }
0x42: {  	_ =	shalt  }
0x43: {  	_ =	shalt  }
0x44: {  	_ =	shalt  }
0x45: {  	_ =	shalt  }
0x46: {  	_ =	shalt  }
0x47: {  	_ =	shalt  }
0x48: {  	_ =	shalt  }
0x49: {  	_ =	shalt  }
0x4a: {  	_ =	shalt  }
0x4b: {  	_ =	shalt  }
0x4c: {  	_ =	shalt  }
0x4d: {  	_ =	shalt  }
0x4e: {  	_ =	shalt  }
0x4f: {  	_ =	shalt  }
0x50: {  	_ =	shalt  }
0x51: {  	_ =	shalt  }
0x52: {  	_ =	shalt  }
0x53: {  	_ =	shalt  }
0x54: {  	_ =	shalt  }
0x55: {  	_ =	shalt  }
0x56: {  	_ =	shalt  }
0x57: {  	_ =	shalt  }
0x58: {  	_ =	shalt  }
0x59: {  	_ =	shalt  }
0x5a: {  	_ =	shalt  }
0x5b: {  	_ =	shalt  }
0x5c: {  	_ =	shalt  }
0x5d: {  	_ =	shalt  }
0x5e: {  	_ =	shalt  }
0x5f: {  	_ =	shalt  }
0x60: {  	_ =	shalt  }
0x61: {  	_ =	shalt  }
0x62: {  	_ =	shalt  }
0x63: {  	_ =	shalt  }
0x64: {  	_ =	shalt  }
0x65: {  	_ =	shalt  }
0x66: {  	_ =	shalt  }
0x67: {  	_ =	shalt  }
0x68: {  	_ =	shalt  }
0x69: {  	_ =	shalt  }
0x6a: {  	_ =	shalt  }
0x6b: {  	_ =	shalt  }
0x6c: {  	_ =	shalt  }
0x6d: {  	_ =	shalt  }
0x6e: {  	_ =	shalt  }
0x6f: {  	_ =	shalt  }
0x70: {  	_ =	shalt  }
0x71: {  	_ =	shalt  }
0x72: {  	_ =	shalt  }
0x73: {  	_ =	shalt  }
0x74: {  	_ =	shalt  }
0x75: {  	_ =	shalt  }
0x76: {  	_ =	shalt  }
0x77: {  	_ =	shalt  }
0x78: {  	_ =	shalt  }
0x79: {  	_ =	shalt  }
0x7a: {  	_ =	shalt  }
0x7b: {  	_ =	shalt  }
0x7c: {  	_ =	shalt  }
0x7d: {  	_ =	shalt  }
0x7e: {  	_ =	shalt  }
0x7f: {  	_ =	shalt  }
0x80: {  	_ =	shalt  }
0x81: {  	_ =	shalt  }
0x82: {  	_ =	shalt  }
0x83: {  	_ =	shalt  }
0x84: {  	_ =	shalt  }
0x85: {  	_ =	shalt  }
0x86: {  	_ =	shalt  }
0x87: {  	_ =	shalt  }
.Lfunc_end0:
.L_simem_size_0:
called_computation_lowered:
.L_overlay_start_0:
0x88: {  	s2 =	sld [smem:$0x3FD9]  }
0x89: {  	s3 =	sld [smem:$0x3FFE];
	_ =	sdelay $0x1  }
0x8a: {  	s1 =	srdreg.scid  }
0x8b: {  	s0 =	sand.u32 $0x1, s1  }
0x8c: {  	s17 =	sshll.u32 s0, $0xA;
	s2 =	sadd.s32 s3, s2  }
0x8d: {  	s2 =	sadd.s32 s2, s17  }
0x8e: {  	[smem:$0x3FC1] =	sst s2  }
0x8f: {  	_ = 	snop  }
0x90: {  	s2 =	sld [smem:$0x3FD0];
	(tm) =	ssettm $0x1  }
0x91: {  	s18 =	sld [smem:$0x3FFB];
	_ =	sdelay $0x3  }
0x92: {  	_ =	strace s18  }
0x93: {  	s3 =	sld [smem:$0x3FFC];
	_ =	sdelay $0x3  }
0x94: {  	_ =	strace s3  }
0x95: {  	s3 =	sld [smem:$0x3FFD];
	_ =	sdelay $0x3  }
0x96: {  	_ =	strace s3  }
0x97: {  	_ =	strace $0x8FFFFFFF  }
0x98: {  	s19 =	sld [smem:$0x3FDB];
	_ =	sdelay $0x1  }
0x99: {  	s4 =	simm.s32 $_scs_section_size  }
0x9a: {  	s5 =	simm.s32 $_size__tile_overlayer_lowered;
	s6 =	simm.s32 $_tile_overlayer_lowered  }
0x9b: {  	s22 =	simm.s32 $0x1BFF;
	s21 =	sshll.u32 s6, $0x1;
	s3 =	sadd.s32 s4, s19  }
0x9c: {  	s7 =	simm.s32 $0x0;
	s20 =	sshll.u32 s5, $0x1;
	s5 =	sadd.s32 s21, s3  }
0x9d: {  	[timem:s7], [sflag:s22] =	dma.local [hbm:s5], s20  }
0x9e: {  	_ =	swait.ge [sflag:s22], s20  }
0x9f: {  	s4 =	ssub.s32 $0x0, s20;
	[sflag:s22] =	ssyncset.done $0x0  }
0xa0: {  	[sflag:s22] =	ssyncadd.s32 s4;
	_ =	sdelay $0x1  }
0xa1: {  	s23 =	simm.s32 $0x1B8B  }
0xa2: {  	_ =	swait.ge [sflag:s23], $0x1  }
0xa3: {  	[sflag:s23] =	ssyncset.done $0x0  }
0xa4: {  	s25 =	simm.s32 $0x1B8E;
	s24 =	sld [smem:$0x3FFE];
	[sflag:s23] =	ssyncadd.s32 $0xFFFFFFFF  }
0xa5: {  	s26 =	simm.s32 $execute0_lowered;
	[smem:$0x3FD2] =	sst s25  }
0xa6: {  	s5 =	sshll.u32 s26, $0x1;
	_ =	strace $0x80000046;
	[dreg:$0x1] =	wrdreg $0xFFFFFFFF  }
0xa7: {  	s28 =	simm.s32 $_size_execute0_lowered;
	s3 =	sadd.s32 s3, s5;
	[dreg:$0x0] =	wrdreg $0x0  }
0xa8: {  	s5 =	sshll.u32 s28, $0x1;
	[dreg:$0x2] =	wrdreg s3  }
0xa9: {  	[dreg:$0x3] =	wrdreg s5  }
0xaa: {  	[dreg:$0x4] =	wrdreg $0xC0  }
0xab: {  	_ =	task [dreg:s7], $0x5FFFF  }
0xac: {  	[dreg:$0x1] =	wrdreg $0xFFFFFFFF  }
0xad: {  	[dreg:$0x0] =	wrdreg $0x60  }
0xae: {  	[dreg:$0x2] =	wrdreg s24  }
0xaf: {  	[dreg:$0x3] =	wrdreg s2  }
0xb0: {  	[dreg:$0x4] =	wrdreg $0x9  }
0xb1: {  	_ =	task.clear_ibuf [dreg:s7], $0x5FFFF;
	_ =	strace $0x90000046  }
0xb2: {  	s29 =	simm.s32 $0x9;
	_ =	strace $0x80000048  }
0xb3: {  	_ =	swait.ge [sflag:s29], $0x1  }
0xb4: {  	[sflag:s29] =	ssyncadd.s32 $0xFFFFFFFF  }
0xb5: {  	_ =	strace $0x90000048  }
0xb6: {  	_ =	sfence  }
0xb7: {  	s30 =	sld [smem:$0x0];
	_ =	sdelay $0x2  }
0xb8: {  	s31 =	sshll.u32 s1, $0xD;
	s1 =	sshrl.u32 s1, $0x2  }
0xb9: {  	s3 =	sand.u32 $0x4000, s31;
	s1 =	sadd.s32 s1, s30  }
0xba: {  	s0 =	sor.u32 s3, s0;
	s1 =	sshll.u32 s1, $0x11  }
0xbb: {  	s0 =	sor.u32 s1, s0  }
0xbc: {  	s0 =	sadd.s32 $0x8F2B, s0  }
0xbd: {  	[sflag:s0] =	ssyncadd.remote.s32 $0x1  }
0xbe: {  	_ =	sfence.sel $0xFFFF  }
0xbf: {  	[dreg:$0x0] =	wrdreg $0xFFFFFFFF;
	(pc) =	sbr.abs _section_cstart, $3  }
0xc0: {  	[dreg:$0x1] =	wrdreg $0xFFFFFFFF  }
0xc1: {  	_ =	task.clear_ibuf [dreg:s7], $0x2FFFF;
	_ =	strace $0x9FFFFFFF  }
0xc2: {  	(tm) =	ssettm $0x7FFFFFFF  }
0xc3: {  	_ =	shalt  }
tec
execute0_lowered:
.L_overlay_start_1:
0x0: {  	(tag) =	ssettag $0x1  }
0x1: {  	s4 =	rddreg [dreg:$0x0]  }
0x2: {  	s10 =	rddreg [dreg:$0x1];
	s2 =	srdreg.scid  }
0x3: {  	s0 =	rddreg [dreg:$0x2];
	s1 =	stileid.u32  }
0x4: {  	s13 =	simm.s32 $0x100;
	s14 =	simm.s32 $0x200;
	s15 =	simm.s32 $0x300  }
0x5: {  	s16 =	simm.s32 $0x400;
	s17 =	simm.s32 $0x500;
	s18 =	simm.s32 $0x1  }
0x6: {  	s19 =	simm.s32 $0x80;
	s20 =	simm.s32 $0x600;
	s21 =	simm.s32 $0x700  }
0x7: {  	s22 =	simm.s32 $0x680;
	s23 =	simm.s32 $0x4700;
	s24 =	simm.s32 $0x2  }
0x8: {  	s25 =	simm.s32 $0x3;
	s3 =	sand.u32 $0x1, s2;
	s2 =	simm.s32 $0x0  }
0x9: {  	s5 =	sshll.u32 s1, $0x9;
	s6 =	sshll.u32 s3, $0x8;
	[smem:$0x7FF] =	sst s2  }
0xa: {  	s30 =	ssub.s32 $0x2, s3;
	s3 =	sadd.s32 $0x2A00, s4;
	s8 =	sor.u32 s6, s5  }
0xb: {  	_ =	strace $0x80000047;
	s31 =	sshrl.u32 s30, $0x1;
	s5 =	sshrl.u32 s8, $0x3  }
0xc: {  	s12 =	ssub.s32 s30, s31;
	s11 =	sshll.u32 s8, $0x4;
	s9 =	sadd.s32 s5, s4  }
0xd: {  	s10 =	sadd.s32 s10, s11;
	s12 =	smax.u32 s12, $0x1;
	s4 =	sadd.s32 $0x1200, s9  }
0xe: {  	s5 =	sadd.s32 $0x1600, s9;
	s6 =	sadd.s32 $0x1A00, s9;
	s7 =	sadd.s32 $0x1E00, s9  }
0xf: {  	s8 =	sadd.s32 $0x2200, s9;
	s9 =	sadd.s32 $0x2600, s9;
	s11 =	sadd.s32 $0x800, s10  }
.LBB2_1:
0x10: {  	[tilespmem:s2], [sflag:$0x1] =	stream.linear.gather [hbm4b:s4+s2], $0x100, $0x38;
	[tilespmem:$0x8700] =	vst v63  }
0x11: {  	_ = 	snop  }
0x12: {  	[tilespmem:s13], [sflag:$0x1] =	stream.linear.gather [hbm4b:s5+s2], $0x100, $0x38;
	[tilespmem:$0x8700] =	vst v63  }
0x13: {  	_ = 	snop  }
0x14: {  	[tilespmem:s14], [sflag:$0x1] =	stream.linear.gather [hbm4b:s6+s2], $0x100, $0x38;
	[tilespmem:$0x8700] =	vst v63  }
0x15: {  	_ = 	snop  }
0x16: {  	[tilespmem:s15], [sflag:$0x1] =	stream.linear.gather [hbm4b:s7+s2], $0x100, $0x38;
	[tilespmem:$0x8700] =	vst v63  }
0x17: {  	_ = 	snop  }
0x18: {  	[tilespmem:s16], [sflag:$0x1] =	stream.linear.gather [hbm4b:s8+s2], $0x100, $0x38;
	[tilespmem:$0x8700] =	vst v63  }
0x19: {  	_ = 	snop  }
0x1a: {  	[tilespmem:s17], [sflag:$0x1] =	stream.linear.gather [hbm4b:s9+s2], $0x100, $0x38;
	[tilespmem:$0x8700] =	vst v63  }
0x1b: {  	_ =	swait.ge [sflag:s18], $0x100  }
0x1c: {  	[sflag:s18] =	ssyncset.done $0x0  }
0x1d: {  	[sflag:s18] =	ssyncadd.s32 $0xFFFFFF00  }
0x1e: {  	_ =	swait.ge [sflag:s18], $0x100  }
0x1f: {  	[sflag:s18] =	ssyncset.done $0x0  }
0x20: {  	[sflag:s18] =	ssyncadd.s32 $0xFFFFFF00  }
0x21: {  	_ =	swait.ge [sflag:s18], $0x100  }
0x22: {  	[sflag:s18] =	ssyncset.done $0x0  }
0x23: {  	[sflag:s18] =	ssyncadd.s32 $0xFFFFFF00  }
0x24: {  	_ =	swait.ge [sflag:s18], $0x100  }
0x25: {  	[sflag:s18] =	ssyncset.done $0x0  }
0x26: {  	[sflag:s18] =	ssyncadd.s32 $0xFFFFFF00  }
0x27: {  	_ =	swait.ge [sflag:s18], $0x100  }
0x28: {  	[sflag:s18] =	ssyncset.done $0x0  }
0x29: {  	[sflag:s18] =	ssyncadd.s32 $0xFFFFFF00  }
0x2a: {  	_ =	swait.ge [sflag:s18], $0x100  }
0x2b: {  	[sflag:s18] =	ssyncset.done $0x0  }
0x2c: {  	[sflag:s18] =	ssyncadd.s32 $0xFFFFFF00  }
0x2d: {  	v0 =	vld [tilespmem:$0x0]  }
0x2e: {  	v1 =	vld [tilespmem:$0x100]  }
0x2f: {  	v2 =	vld [tilespmem:$0x200]  }
0x30: {  	v3 =	vld [tilespmem:$0x300]  }
0x31: {  	v4 =	vld [tilespmem:$0x400]  }
0x32: {  	v5 =	vld [tilespmem:$0x500]  }
0x33: {  	v6 =	vld [tilespmem:$0x10]  }
0x34: {  	v7 =	vld [tilespmem:$0x110]  }
0x35: {  	v8 =	vld [tilespmem:$0x210]  }
0x36: {  	v9 =	vld [tilespmem:$0x310]  }
0x37: {  	v10 =	vld [tilespmem:$0x410]  }
0x38: {  	v11 =	vld [tilespmem:$0x510]  }
0x39: {  	v12 =	vld [tilespmem:$0x20]  }
0x3a: {  	v13 =	vld [tilespmem:$0x120]  }
0x3b: {  	v14 =	vld [tilespmem:$0x220]  }
0x3c: {  	v15 =	vld [tilespmem:$0x320]  }
0x3d: {  	v16 =	vld [tilespmem:$0x420]  }
0x3e: {  	v17 =	vld [tilespmem:$0x520]  }
0x3f: {  	v18 =	vld [tilespmem:$0x30]  }
0x40: {  	v19 =	vld [tilespmem:$0x130]  }
0x41: {  	v20 =	vld [tilespmem:$0x230]  }
0x42: {  	v21 =	vld [tilespmem:$0x330]  }
0x43: {  	v22 =	vld [tilespmem:$0x430]  }
0x44: {  	v24 =	vld [tilespmem:$0x40]  }
0x45: {  	v25 =	vld [tilespmem:$0x140]  }
0x46: {  	v26 =	vld [tilespmem:$0x240]  }
0x47: {  	v41 =	vld [tilespmem:$0x340]  }
0x48: {  	v46 =	vld [tilespmem:$0x50];
	v0 =	vmul.u32 $0x9, v0;
	v2 =	vmul.u32 $0x3, v2  }
0x49: {  	v54 =	vld [tilespmem:$0x350];
	v1 =	vmul.u32 $0x9, v1;
	v3 =	vmul.u32 $0x3, v3;
	v39 =	vmul.u32 $0x9, v6  }
0x4a: {  	v63 =	vld [tilespmem:$0x60];
	v40 =	vmul.u32 $0x3, v8;
	v44 =	vmul.u32 $0x9, v7;
	v45 =	vmul.u32 $0x3, v9  }
0x4b: {  	v23 =	vld [tilespmem:$0x530];
	v49 =	vmul.u32 $0x9, v12;
	v50 =	vmul.u32 $0x3, v14;
	v52 =	vmul.u32 $0x9, v13  }
0x4c: {  	v42 =	vld [tilespmem:$0x440];
	v53 =	vmul.u32 $0x3, v15;
	v55 =	vmul.u32 $0x9, v18;
	v56 =	vmul.u32 $0x3, v20  }
0x4d: {  	v27 =	vld [tilespmem:$0x160];
	v61 =	vmul.u32 $0x9, v19;
	v62 =	vmul.u32 $0x3, v21;
	v28 =	vmul.u32 $0x9, v24  }
0x4e: {  	v33 =	vld [tilespmem:$0x360];
	v29 =	vmul.u32 $0x3, v26;
	v7 =	vmul.u32 $0x9, v46;
	v35 =	vmul.u32 $0x9, v25  }
0x4f: {  	v43 =	vld [tilespmem:$0x540];
	v8 =	vmul.u32 $0x3, v41;
	v37 =	vmul.u32 $0x3, v54;
	v41 =	vmul.u32 $0x9, v63  }
0x50: {  	v48 =	vld [tilespmem:$0x150];
	v0 =	vadd.s32 v0, v2;
	v1 =	vadd.s32 v1, v3;
	v2 =	vadd.s32 v39, v40  }
0x51: {  	v51 =	vld [tilespmem:$0x250];
	v6 =	vadd.s32 v49, v50;
	v59 =	vadd.s32 v52, v53;
	v9 =	vadd.s32 v55, v56  }
0x52: {  	v30 =	vld [tilespmem:$0x260];
	v12 =	vadd.s32 v61, v62;
	v14 =	vadd.s32 v28, v29;
	v8 =	vadd.s32 v35, v8  }
0x53: {  	v57 =	vld [tilespmem:$0x450];
	v49 =	vmul.u32 $0x9, v27;
	v50 =	vmul.u32 $0x3, v33;
	v0 =	vadd.s32 v4, v0  }
0x54: {  	v38 =	vld [tilespmem:$0x270];
	v1 =	vadd.s32 v5, v1;
	v2 =	vadd.s32 v10, v2;
	v5 =	vadd.s32 v44, v45  }
0x55: {  	v60 =	vld [tilespmem:$0x550];
	v58 =	vadd.s32 v16, v6;
	v6 =	vadd.s32 v17, v59;
	v9 =	vadd.s32 v22, v9  }
0x56: {  	v34 =	vld [tilespmem:$0x460];
	v32 =	vadd.s32 v23, v12;
	v10 =	vmul.u32 $0x3, v51;
	v3 =	vadd.s32 v42, v14  }
0x57: {  	v36 =	vld [tilespmem:$0x70];
	v4 =	vadd.s32 v43, v8;
	v42 =	vmul.u32 $0x3, v30;
	v0 =	vmul.u32 $0x1B, v0  }
0x58: {  	v39 =	vld [tilespmem:$0x170];
	v47 =	vmul.u32 $0x1B, v2;
	v5 =	vadd.s32 v11, v5;
	v31 =	vmul.u32 $0x1B, v9  }
0x59: {  	v40 =	vld [tilespmem:$0x370];
	v2 =	vmul.u32 $0x9, v48;
	v3 =	vmul.u32 $0x1B, v3;
	v48 =	vmul.u32 $0x3, v38  }
0x5a: {  	v43 =	vld [tilespmem:$0x470];
	v7 =	vadd.s32 v7, v10;
	v45 =	vadd.s32 v41, v42;
	v0 =	vadd.s32 v0, v1  }
0x5b: {  	v44 =	vld [tilespmem:$0x560];
	v1 =	vadd.s32 v47, v5;
	v5 =	vmul.u32 $0x1B, v58;
	v7 =	vadd.s32 v57, v7  }
0x5c: {  	v2 =	vadd.s32 v2, v37;
	v3 =	vadd.s32 v3, v4;
	v47 =	vmul.u32 $0x9, v36  }
0x5d: {  	v46 =	vld [tilespmem:$0x570];
	v7 =	vmul.u32 $0x1B, v7;
	v2 =	vadd.s32 v60, v2;
	[tilespmem:$0x600] =	vst v0;
	v0 =	vadd.s32 v34, v45  }
0x5e: {  	[tilespmem:$0x610] =	vst v1;
	v52 =	vmul.u32 $0x9, v39;
	v8 =	vmul.u32 $0x3, v40;
	v1 =	vadd.s32 v49, v50  }
0x5f: {  	[tilespmem:$0x640] =	vst v3;
	v5 =	vadd.s32 v5, v6;
	v6 =	vadd.s32 v31, v32;
	v51 =	vadd.s32 v47, v48  }
0x60: {  	v0 =	vmul.u32 $0x1B, v0;
	v1 =	vadd.s32 v44, v1;
	[tilespmem:$0x620] =	vst v5;
	v5 =	vadd.s32 v43, v51  }
0x61: {  	v2 =	vadd.s32 v7, v2;
	[tilespmem:$0x630] =	vst v6;
	v54 =	vadd.s32 v52, v8;
	v53 =	vmul.u32 $0x1B, v5  }
0x62: {  	[tilespmem:$0x650] =	vst v2;
	v0 =	vadd.s32 v0, v1;
	v55 =	vadd.s32 v46, v54  }
0x63: {  	[tilespmem:$0x660] =	vst v0;
	v56 =	vadd.s32 v53, v55  }
0x64: {  	[tilespmem:$0x670] =	vst v56  }
0x65: {  	[tilespmem:s21], [sflag:$0x2] =	stream.indirect.gather [hbm4b:s3+s19], $0x80, s20, s19, $0xb8;
	[tilespmem:$0x8700] =	vst v63  }
0x66: {  	v57 =	vld [tilespmem:$0x80]  }
0x67: {  	v58 =	vld [tilespmem:$0x180]  }
0x68: {  	v59 =	vld [tilespmem:$0x280]  }
0x69: {  	v60 =	vld [tilespmem:$0x380]  }
0x6a: {  	v61 =	vld [tilespmem:$0x480]  }
0x6b: {  	v62 =	vld [tilespmem:$0x580]  }
0x6c: {  	v63 =	vld [tilespmem:$0x90]  }
0x6d: {  	v28 =	vld [tilespmem:$0x190]  }
0x6e: {  	v29 =	vld [tilespmem:$0x290]  }
0x6f: {  	v30 =	vld [tilespmem:$0x390]  }
0x70: {  	v31 =	vld [tilespmem:$0x490]  }
0x71: {  	v32 =	vld [tilespmem:$0x590]  }
0x72: {  	v33 =	vld [tilespmem:$0xA0]  }
0x73: {  	v34 =	vld [tilespmem:$0x1A0]  }
0x74: {  	v35 =	vld [tilespmem:$0x2A0]  }
0x75: {  	v36 =	vld [tilespmem:$0x3A0]  }
0x76: {  	v37 =	vld [tilespmem:$0x4A0]  }
0x77: {  	v38 =	vld [tilespmem:$0x5A0]  }
0x78: {  	v39 =	vld [tilespmem:$0xB0]  }
0x79: {  	v40 =	vld [tilespmem:$0x1B0]  }
0x7a: {  	v41 =	vld [tilespmem:$0x2B0]  }
0x7b: {  	v42 =	vld [tilespmem:$0x3B0]  }
0x7c: {  	v43 =	vld [tilespmem:$0x4B0]  }
0x7d: {  	v44 =	vld [tilespmem:$0x5B0]  }
0x7e: {  	v46 =	vld [tilespmem:$0x1C0]  }
0x7f: {  	v47 =	vld [tilespmem:$0x2C0]  }
0x80: {  	v49 =	vld [tilespmem:$0x3C0];
	v0 =	vmul.u32 $0x9, v57;
	v2 =	vmul.u32 $0x3, v59  }
0x81: {  	v45 =	vld [tilespmem:$0xC0];
	v1 =	vmul.u32 $0x9, v58;
	v48 =	vmul.u32 $0x3, v60;
	v50 =	vmul.u32 $0x9, v63  }
0x82: {  	v52 =	vld [tilespmem:$0x4C0];
	v51 =	vmul.u32 $0x3, v29;
	v53 =	vmul.u32 $0x9, v28;
	v54 =	vmul.u32 $0x3, v30  }
0x83: {  	v55 =	vld [tilespmem:$0x5C0];
	v56 =	vmul.u32 $0x9, v33;
	v57 =	vmul.u32 $0x3, v35;
	v60 =	vmul.u32 $0x9, v34  }
0x84: {  	v58 =	vld [tilespmem:$0xD0];
	v28 =	vmul.u32 $0x9, v39;
	v29 =	vmul.u32 $0x3, v41;
	v35 =	vmul.u32 $0x9, v40  }
0x85: {  	v59 =	vld [tilespmem:$0x1D0];
	v39 =	vmul.u32 $0x3, v47;
	v41 =	vmul.u32 $0x9, v46;
	v3 =	vmul.u32 $0x3, v49  }
0x86: {  	v63 =	vld [tilespmem:$0x3D0];
	v0 =	vadd.s32 v0, v2;
	v1 =	vadd.s32 v1, v48;
	v4 =	vadd.s32 v50, v51  }
0x87: {  	v40 =	vld [tilespmem:$0x2E0];
	v2 =	vadd.s32 v53, v54;
	v6 =	vadd.s32 v56, v57;
	v34 =	vadd.s32 v28, v29  }
0x88: {  	v47 =	vld [tilespmem:$0x1F0];
	v3 =	vadd.s32 v41, v3;
	v0 =	vadd.s32 v61, v0;
	v1 =	vadd.s32 v62, v1  }
0x89: {  	v30 =	vld [tilespmem:$0x5D0];
	v4 =	vadd.s32 v31, v4;
	v61 =	vmul.u32 $0x3, v36;
	v2 =	vadd.s32 v32, v2  }
0x8a: {  	v33 =	vld [tilespmem:$0xE0];
	v6 =	vadd.s32 v37, v6;
	v36 =	vmul.u32 $0x3, v42;
	v3 =	vadd.s32 v55, v3  }
0x8b: {  	v48 =	vld [tilespmem:$0x3F0];
	v0 =	vmul.u32 $0x1B, v0;
	v4 =	vmul.u32 $0x1B, v4;
	v6 =	vmul.u32 $0x1B, v6  }
0x8c: {  	v62 =	vld [tilespmem:$0x2D0];
	v7 =	vadd.s32 v60, v61;
	v14 =	vmul.u32 $0x9, v58;
	v5 =	vmul.u32 $0x9, v59  }
0x8d: {  	v37 =	vld [tilespmem:$0x1E0];
	v11 =	vmul.u32 $0x3, v63;
	v49 =	vmul.u32 $0x3, v40;
	v59 =	vmul.u32 $0x9, v47  }
0x8e: {  	v42 =	vld [tilespmem:$0x3E0];
	v7 =	vadd.s32 v38, v7;
	v0 =	vadd.s32 v0, v1;
	v31 =	vadd.s32 v4, v2  }
0x8f: {  	v38 =	vmul.u32 $0x9, v45;
	v45 =	vld [tilespmem:$0x2F0];
	v32 =	vadd.s32 v6, v7;
	v7 =	vadd.s32 v35, v36  }
0x90: {  	v4 =	vmul.u32 $0x9, v33;
	v6 =	vadd.s32 v43, v34;
	v7 =	vadd.s32 v44, v7;
	v44 =	vld [tilespmem:$0xF0]  }
0x91: {  	v27 =	vld [tilespmem:$0x4D0];
	v5 =	vadd.s32 v5, v11;
	v60 =	vmul.u32 $0x3, v48;
	v17 =	vadd.s32 v38, v39  }
0x92: {  	v43 =	vld [tilespmem:$0x4E0];
	v12 =	vmul.u32 $0x3, v62;
	v6 =	vmul.u32 $0x1B, v6;
	v5 =	vadd.s32 v30, v5  }
0x93: {  	v50 =	vld [tilespmem:$0x4F0];
	v56 =	vmul.u32 $0x9, v37;
	v57 =	vmul.u32 $0x3, v42;
	v8 =	vadd.s32 v52, v17  }
0x94: {  	v51 =	vld [tilespmem:$0x5E0];
	v52 =	vadd.s32 v4, v49;
	v61 =	vadd.s32 v59, v60;
	v12 =	vadd.s32 v14, v12  }
0x95: {  	v53 =	vld [tilespmem:$0x5F0];
	[tilespmem:$0x680] =	vst v0;
	v8 =	vmul.u32 $0x1B, v8;
	v55 =	vmul.u32 $0x3, v45;
	v54 =	vmul.u32 $0x9, v44  }
0x96: {  	[tilespmem:$0x690] =	vst v31;
	v6 =	vadd.s32 v6, v7;
	v1 =	vadd.s32 v56, v57;
	v46 =	vadd.s32 v27, v12  }
0x97: {  	[tilespmem:$0x6A0] =	vst v32;
	v9 =	vmul.u32 $0x1B, v46;
	v0 =	vadd.s32 v43, v52;
	v58 =	vadd.s32 v54, v55  }
0x98: {  	[tilespmem:$0x6B0] =	vst v6;
	v3 =	vadd.s32 v8, v3;
	v0 =	vmul.u32 $0x1B, v0;
	v2 =	vadd.s32 v50, v58  }
0x99: {  	v1 =	vadd.s32 v51, v1;
	[tilespmem:$0x6C0] =	vst v3;
	v5 =	vadd.s32 v9, v5;
	v2 =	vmul.u32 $0x1B, v2  }
0x9a: {  	v62 =	vadd.s32 v53, v61;
	[tilespmem:$0x6D0] =	vst v5;
	v0 =	vadd.s32 v0, v1  }
0x9b: {  	[tilespmem:$0x6E0] =	vst v0;
	v63 =	vadd.s32 v2, v62  }
0x9c: {  	[tilespmem:$0x6F0] =	vst v63  }
0x9d: {  	[tilespmem:s23], [sflag:$0x3] =	stream.indirect.gather [hbm4b:s3+s19], $0x80, s22, s19, $0xb8;
	[tilespmem:$0x8700] =	vst v63  }
0x9e: {  	_ =	swait.ge [sflag:s24], $0x4000  }
0x9f: {  	[sflag:s24] =	ssyncset.done $0x0  }
0xa0: {  	[sflag:s24] =	ssyncadd.s32 $0xFFFFC000  }
0xa1: {  	[hbm4b:s10+s2] =	stream.linear.scatter [tilespmem:s21], [sflag:$0x1], $0x4000, $0x38;
	[tilespmem:$0x8700] =	vst v63  }
0xa2: {  	_ =	swait.ge [sflag:s25], $0x4000  }
0xa3: {  	[sflag:s25] =	ssyncset.done $0x0  }
0xa4: {  	[sflag:s25] =	ssyncadd.s32 $0xFFFFC000  }
0xa5: {  	[hbm4b:s11+s2] =	stream.linear.scatter [tilespmem:s23], [sflag:$0x2], $0x4000, $0x38;
	[tilespmem:$0x8700] =	vst v63  }
0xa6: {  	p0 =	sne.s32 s12, $0x1;
	_ =	swait.ge [sflag:s18], $0x4000  }
.Ltmp0:
0xa7: {  	[sflag:s18] =	ssyncset.done $0x0;
	(pc) =	sbr.rel @p0 .LBB2_1-.Ltmp0, $4  }
0xa8: {  	[sflag:s18] =	ssyncadd.s32 $0xFFFFC000  }
0xa9: {  	_ =	swait.ge [sflag:s24], $0x4000  }
0xaa: {  	[sflag:s24] =	ssyncset.done $0x0  }
0xab: {  	s12 =	sadd.s32 $0xFFFFFFFF, s12;
	[sflag:s24] =	ssyncadd.s32 $0xFFFFC000  }
0xac: {  	_ =	sfence.sel $0x180000  }
0xad: {  	[bflag:$0x0] =	sbarrier.arrive $0xFFFF  }
0xae: {  	p0 =	sne.s32 s1, $0x0;
	_ =	strace $0x90000047  }
0xaf: {  	s0 =	sadd.s32 @!p0 $0x100000, s0;
	[bflag:$0x2] =	sbarrier.arrive $0xFFFF  }
0xb0: {  	[sflag:s0] =	ssyncadd.tile.s32 @!p0 $0x1;
	_ =	shalt  }
.Lfunc_end2:
_tile_overlayer_lowered:
.L_overlay_start_2:
0xb1: {  	(tag) =	ssettag $0x2  }
0xb2: {  	s0 =	rddreg [dreg:$0x0];
	s2 =	stileid.u32  }
0xb3: {  	s1 =	rddreg [dreg:$0x1];
	p0 =	sne.s32 s2, $0x0  }
0xb4: {  	s3 =	rddreg [dreg:$0x2];
	[bflag:$0x3] =	sbarrier.arrive $0xFFFF;
	s2 =	simm.s32 @!p0 $0x1C04  }
0xb5: {  	[timem:s3], [sflag:s2] =	dma.local @!p0 [hbm:s0], s1  }
0xb6: {  	s0 =	simm.s32 @!p0 $0x4  }
0xb7: {  	_ =	swait.ge @!p0 [sflag:s0], s1  }
0xb8: {  	s1 =	ssub.s32 @!p0 $0x0, s1;
	[sflag:s0] =	ssyncset.done @!p0 $0x0  }
0xb9: {  	[sflag:s0] =	ssyncadd.s32 @!p0 s1  }
0xba: {  	[bflag:$0x3] =	sbarrier.arrive $0xFFFF  }
0xbb: {  	_ =	shalt  }

</sc_bundles>
